<compile_context>
chip_gen: v7x
topology: tpu7x:2x2x1
jax: 0.10.2.dev20260603
libtpu: 0.0.44.dev20260713+nightly
codegen_flags: <defaults>
</compile_context>

<pallas_src>
import functools

import jax
import jax.numpy as jnp
from jax import lax
from jax.experimental import pallas as pl
from jax.experimental.pallas import tpu as pltpu
from jax.experimental.pallas import tpu_sc as plsc

FEAT = 128
N_ATOMS = 100000
VOCAB_ROWS = 100
NC = 2
NS = 16
NW = NC * NS
BPW = N_ATOMS // NW
GRP = 16
CHUNK = 256
NFULL = BPW // CHUNK
TAIL = BPW - NFULL * CHUNK
TAILGRP = (TAIL + GRP - 1) // GRP
IDXPAD = (NFULL * CHUNK + TAILGRP * GRP)

_mesh = plsc.VectorSubcoreMesh(core_axis_name="c", subcore_axis_name="s")


@functools.partial(
    pl.kernel,
    mesh=_mesh,
    compiler_params=pltpu.CompilerParams(
        use_tc_tiling_on_sc=False, needs_layout_passes=False),
    out_type=jax.ShapeDtypeStruct((N_ATOMS * FEAT,), jnp.float32),
    scratch_types=[
        pltpu.VMEM((IDXPAD,), jnp.int32),
        pltpu.VMEM((VOCAB_ROWS * FEAT,), jnp.float32),
        pltpu.VMEM((CHUNK * FEAT,), jnp.float32),
        pltpu.VMEM((CHUNK * FEAT,), jnp.float32),
        pltpu.SemaphoreType.DMA,
        pltpu.SemaphoreType.DMA,
    ],
)
def _sc_embed(z_hbm, w_hbm, out_hbm, idx_v, table_v, buf0_v, buf1_v, so0, so1):
    wid = lax.axis_index("s") * NC + lax.axis_index("c")
    pltpu.sync_copy(w_hbm, table_v)
    pltpu.sync_copy(z_hbm.at[wid], idx_v.at[pl.ds(0, BPW)])

    zero16 = jnp.zeros((GRP,), jnp.float32)
    for k in range(FEAT // GRP):
        table_v[pl.ds(k * GRP, GRP)] = zero16

    lane = lax.iota(jnp.int32, GRP)
    base = wid * BPW * FEAT

    def make_group_body(cbase, bufref):
        def grp_body(g, carry):
            gbase = cbase + g * GRP
            rows = idx_v[pl.ds(gbase, GRP)]
            rows = jnp.minimum(jnp.maximum(rows, 0), VOCAB_ROWS - 1)
            src0 = rows * FEAT
            dst0 = (g * GRP + lane) * FEAT

            @plsc.parallel_loop(0, GRP, unroll=4)
            def fp_loop(fp):
                perm = jnp.bitwise_and(lane + fp, GRP - 1)
                s0 = src0 + perm
                d0 = dst0 + perm
                vals = [plsc.load_gather(table_v, [s0 + k * GRP])
                        for k in range(FEAT // GRP)]
                for k in range(FEAT // GRP):
                    plsc.store_scatter(bufref, [d0 + k * GRP], vals[k])

            return carry

        return grp_body

    def drain_full(bufref, sem):
        pltpu.make_async_copy(
            out_hbm.at[pl.ds(0, CHUNK * FEAT)], bufref, sem).wait()

    def do_chunk(c, bufref, sem):
        @pl.when(c >= 2)
        def _():
            drain_full(bufref, sem)

        lax.fori_loop(0, CHUNK // GRP, make_group_body(c * CHUNK, bufref), 0)
        pltpu.async_copy(
            bufref,
            out_hbm.at[pl.ds(base + c * CHUNK * FEAT, CHUNK * FEAT)],
            sem)

    def chunk_body(c, carry):
        @pl.when((c & 1) == 0)
        def _():
            do_chunk(c, buf0_v, so0)

        @pl.when((c & 1) == 1)
        def _():
            do_chunk(c, buf1_v, so1)

        return carry

    lax.fori_loop(0, NFULL, chunk_body, 0)

    drain_full(buf0_v, so0)
    lax.fori_loop(0, TAILGRP, make_group_body(NFULL * CHUNK, buf0_v), 0)
    pltpu.async_copy(
        buf0_v.at[pl.ds(0, TAIL * FEAT)],
        out_hbm.at[pl.ds(base + NFULL * CHUNK * FEAT, TAIL * FEAT)],
        so0)
    pltpu.make_async_copy(
        out_hbm.at[pl.ds(0, TAIL * FEAT)],
        buf0_v.at[pl.ds(0, TAIL * FEAT)], so0).wait()
    drain_full(buf1_v, so1)


def kernel(z_number, atom_embed_weight):
    v_i = jnp.zeros((N_ATOMS, FEAT, 3), dtype=jnp.float32)
    z2 = z_number.astype(jnp.int32).reshape(NW, BPW)
    w1 = atom_embed_weight.reshape(VOCAB_ROWS * FEAT)
    out = _sc_embed(z2, w1)
    s_i = out.reshape(N_ATOMS, FEAT)
    return (s_i, v_i)

# --- scband reference (transcript-rebuilt; emitter-appended) ---
"""Pipeline reference for scband-embedding-block-18932215841341 (READ-ONLY COPY).

The authoritative reference and input builder live on the scoring server;
editing this copy changes nothing except your own understanding.
"""

import jax, jax.numpy as jnp
import numpy as np

FEAT_DIM = 128
N_ATOMS = 100000
VOCAB = 100


def setup_inputs(seed: int = 0) -> dict:
    key = jax.random.key(seed)
    k1, k2 = jax.random.split(key)
    z_number = jax.random.randint(k1, (N_ATOMS,), 0, VOCAB)
    atom_embed_weight = jax.random.normal(k2, (VOCAB, FEAT_DIM), dtype=jnp.float32)
    return {"z_number": z_number, "atom_embed_weight": atom_embed_weight}


def reference(z_number, atom_embed_weight):
    # nn.Embedding with padding_idx=0: row 0 is forced to zero
    w_pad = atom_embed_weight.at[0].set(0.0)
    s_i = jnp.take(w_pad, z_number, axis=0)
    v_i = jnp.zeros((z_number.shape[0], atom_embed_weight.shape[1], 3), dtype=s_i.dtype)
    return (s_i, v_i)

if __name__ == "__main__":
    import jax
    _d = setup_inputs()
    print(jax.jit(kernel)(*tuple(_d.values())))

</pallas_src>

<mosaic_0001>
#map = affine_map<(d0, d1) -> (0, 0)>
#map1 = affine_map<(d0, d1) -> (0)>
module attributes {stable_mosaic.version = 14 : i64} {
  func.func @_sc_embed(%arg0: i32, %arg1: i32, %arg2: memref<32x3125xi32, #tpu.memory_space<hbm>>, %arg3: memref<12800xf32, #tpu.memory_space<hbm>>, %arg4: memref<12800000xf32, #tpu.memory_space<hbm>>, %arg5: memref<3136xi32, #tpu.memory_space<vmem>>, %arg6: memref<12800xf32, #tpu.memory_space<vmem>>, %arg7: memref<32768xf32, #tpu.memory_space<vmem>>, %arg8: memref<32768xf32, #tpu.memory_space<vmem>>, %arg9: memref<!tpu.dma_semaphore, #tpu.memory_space<semaphore_mem>>, %arg10: memref<!tpu.dma_semaphore, #tpu.memory_space<semaphore_mem>>) attributes {dimension_semantics = [#tpu.dimension_semantics<core_parallel>, #tpu.dimension_semantics<subcore_parallel>], iteration_bounds = array<i64: 2, 16>, scalar_prefetch = 0 : i64, scratch_operands = 6 : i64, tpu.core_type = #tpu.core_type<sc_vector_subcore>, window_params = [{transform_indices = #map}, {transform_indices = #map1}, {transform_indices = #map1}]} {
    %mul3A = arith.constant 2 : i32
    %mul3A_0 = arith.muli %arg1, %mul3A : i32
    %add3A = arith.addi %mul3A_0, %arg0 : i32
    "tpu.region"() ({
      %run_scoped3A = tpu.sem_alloc : memref<!tpu.dma_semaphore, #tpu.memory_space<semaphore_mem>>
      tpu.enqueue_dma source(%arg3 : memref<12800xf32, #tpu.memory_space<hbm>>) target(%arg6 : memref<12800xf32, #tpu.memory_space<vmem>>) target_semaphore(%run_scoped3A : memref<!tpu.dma_semaphore, #tpu.memory_space<semaphore_mem>>)
      tpu.wait_dma2 semaphore(%run_scoped3A : memref<!tpu.dma_semaphore, #tpu.memory_space<semaphore_mem>>) src(%arg3 : memref<12800xf32, #tpu.memory_space<hbm>>) dst(%arg6 : memref<12800xf32, #tpu.memory_space<vmem>>)
      tpu.yield
    }) : () -> ()
    "tpu.region"() ({
      %run_scoped3A = tpu.sem_alloc : memref<!tpu.dma_semaphore, #tpu.memory_space<semaphore_mem>>
      %dma_start3A_54 = arith.constant 0 : i32
      %dma_start3A_55 = tpu.memref_slice %arg5[%dma_start3A_54] : memref<3136xi32, #tpu.memory_space<vmem>> -> memref<3125xi32, #tpu.memory_space<vmem>>
      %dma_start3A_56 = arith.constant 0 : i32
      %dma_start3A_57 = tpu.memref_slice %arg2[%add3A, %dma_start3A_56] : memref<32x3125xi32, #tpu.memory_space<hbm>> -> memref<1x3125xi32, #tpu.memory_space<hbm>>
      %dma_start3A_58 = tpu.memref_squeeze %dma_start3A_57 : memref<1x3125xi32, #tpu.memory_space<hbm>> -> memref<3125xi32, #tpu.memory_space<hbm>>
      %dma_start3A_59 = arith.constant 0 : i32
      %dma_start3A_60 = tpu.memref_slice %arg5[%dma_start3A_59] : memref<3136xi32, #tpu.memory_space<vmem>> -> memref<3125xi32, #tpu.memory_space<vmem>>
      %dma_start3A_61 = arith.constant 0 : i32
      %dma_start3A_62 = tpu.memref_slice %arg2[%add3A, %dma_start3A_61] : memref<32x3125xi32, #tpu.memory_space<hbm>> -> memref<1x3125xi32, #tpu.memory_space<hbm>>
      %dma_start3A_63 = tpu.memref_squeeze %dma_start3A_62 : memref<1x3125xi32, #tpu.memory_space<hbm>> -> memref<3125xi32, #tpu.memory_space<hbm>>
      tpu.enqueue_dma source(%dma_start3A_63 : memref<3125xi32, #tpu.memory_space<hbm>>) target(%dma_start3A_60 : memref<3125xi32, #tpu.memory_space<vmem>>) target_semaphore(%run_scoped3A : memref<!tpu.dma_semaphore, #tpu.memory_space<semaphore_mem>>)
      %dma_wait3A_64 = arith.constant 0 : i32
      %dma_wait3A_65 = tpu.memref_slice %arg5[%dma_wait3A_64] : memref<3136xi32, #tpu.memory_space<vmem>> -> memref<3125xi32, #tpu.memory_space<vmem>>
      %dma_wait3A_66 = arith.constant 0 : i32
      %dma_wait3A_67 = tpu.memref_slice %arg2[%add3A, %dma_wait3A_66] : memref<32x3125xi32, #tpu.memory_space<hbm>> -> memref<1x3125xi32, #tpu.memory_space<hbm>>
      %dma_wait3A_68 = tpu.memref_squeeze %dma_wait3A_67 : memref<1x3125xi32, #tpu.memory_space<hbm>> -> memref<3125xi32, #tpu.memory_space<hbm>>
      %dma_wait3A_69 = arith.constant 0 : i32
      %dma_wait3A_70 = tpu.memref_slice %arg5[%dma_wait3A_69] : memref<3136xi32, #tpu.memory_space<vmem>> -> memref<3125xi32, #tpu.memory_space<vmem>>
      %dma_wait3A_71 = arith.constant 0 : i32
      %dma_wait3A_72 = tpu.memref_slice %arg2[%add3A, %dma_wait3A_71] : memref<32x3125xi32, #tpu.memory_space<hbm>> -> memref<1x3125xi32, #tpu.memory_space<hbm>>
      %dma_wait3A_73 = tpu.memref_squeeze %dma_wait3A_72 : memref<1x3125xi32, #tpu.memory_space<hbm>> -> memref<3125xi32, #tpu.memory_space<hbm>>
      tpu.wait_dma2 semaphore(%run_scoped3A : memref<!tpu.dma_semaphore, #tpu.memory_space<semaphore_mem>>) src(%dma_wait3A_73 : memref<3125xi32, #tpu.memory_space<hbm>>) dst(%dma_wait3A_70 : memref<3125xi32, #tpu.memory_space<vmem>>)
      tpu.yield
    }) : () -> ()
    %broadcast_in_dim3A = arith.constant 0.000000e+00 : f32
    %broadcast_in_dim3A_1 = vector.broadcast %broadcast_in_dim3A : f32 to vector<16xf32>
    %swap3A = arith.constant 0 : index
    %swap3A_2 = tpu.vector_load %arg6[%swap3A] {strides = array<i32>} : memref<12800xf32, #tpu.memory_space<vmem>>, vector<16xf32>,
    tpu.vector_store %arg6[%swap3A], %broadcast_in_dim3A_1 {strides = array<i32>} : memref<12800xf32, #tpu.memory_space<vmem>>, vector<16xf32>,
    %swap3A_3 = arith.constant 16 : index
    %swap3A_4 = tpu.vector_load %arg6[%swap3A_3] {strides = array<i32>} : memref<12800xf32, #tpu.memory_space<vmem>>, vector<16xf32>,
    tpu.vector_store %arg6[%swap3A_3], %broadcast_in_dim3A_1 {strides = array<i32>} : memref<12800xf32, #tpu.memory_space<vmem>>, vector<16xf32>,
    %swap3A_5 = arith.constant 32 : index
    %swap3A_6 = tpu.vector_load %arg6[%swap3A_5] {strides = array<i32>} : memref<12800xf32, #tpu.memory_space<vmem>>, vector<16xf32>,
    tpu.vector_store %arg6[%swap3A_5], %broadcast_in_dim3A_1 {strides = array<i32>} : memref<12800xf32, #tpu.memory_space<vmem>>, vector<16xf32>,
    %swap3A_7 = arith.constant 48 : index
    %swap3A_8 = tpu.vector_load %arg6[%swap3A_7] {strides = array<i32>} : memref<12800xf32, #tpu.memory_space<vmem>>, vector<16xf32>,
    tpu.vector_store %arg6[%swap3A_7], %broadcast_in_dim3A_1 {strides = array<i32>} : memref<12800xf32, #tpu.memory_space<vmem>>, vector<16xf32>,
    %swap3A_9 = arith.constant 64 : index
    %swap3A_10 = tpu.vector_load %arg6[%swap3A_9] {strides = array<i32>} : memref<12800xf32, #tpu.memory_space<vmem>>, vector<16xf32>,
    tpu.vector_store %arg6[%swap3A_9], %broadcast_in_dim3A_1 {strides = array<i32>} : memref<12800xf32, #tpu.memory_space<vmem>>, vector<16xf32>,
    %swap3A_11 = arith.constant 80 : index
    %swap3A_12 = tpu.vector_load %arg6[%swap3A_11] {strides = array<i32>} : memref<12800xf32, #tpu.memory_space<vmem>>, vector<16xf32>,
    tpu.vector_store %arg6[%swap3A_11], %broadcast_in_dim3A_1 {strides = array<i32>} : memref<12800xf32, #tpu.memory_space<vmem>>, vector<16xf32>,
    %swap3A_13 = arith.constant 96 : index
    %swap3A_14 = tpu.vector_load %arg6[%swap3A_13] {strides = array<i32>} : memref<12800xf32, #tpu.memory_space<vmem>>, vector<16xf32>,
    tpu.vector_store %arg6[%swap3A_13], %broadcast_in_dim3A_1 {strides = array<i32>} : memref<12800xf32, #tpu.memory_space<vmem>>, vector<16xf32>,
    %swap3A_15 = arith.constant 112 : index
    %swap3A_16 = tpu.vector_load %arg6[%swap3A_15] {strides = array<i32>} : memref<12800xf32, #tpu.memory_space<vmem>>, vector<16xf32>,
    tpu.vector_store %arg6[%swap3A_15], %broadcast_in_dim3A_1 {strides = array<i32>} : memref<12800xf32, #tpu.memory_space<vmem>>, vector<16xf32>,
    %iota3A = tpu.iota {dimensions = array<i32: 0>} : vector<16xi32>
    %mul3A_17 = arith.constant 3125 : i32
    %mul3A_18 = arith.muli %add3A, %mul3A_17 : i32
    %mul3A_19 = arith.constant 128 : i32
    %mul3A_20 = arith.muli %mul3A_18, %mul3A_19 : i32
    %scan3A = arith.constant 0 : i32
    %scan3A_21 = arith.constant 0 : i32
    %scan3A_22 = arith.constant 12 : i32
    %scan3A_23 = arith.addi %scan3A_21, %scan3A_22 : i32
    %scan3A_24 = arith.constant 1 : i32
    scf.for %scan3A_54 = %scan3A_21 to %scan3A_23 step %scan3A_24  : i32 {
      %and3A = arith.constant 1 : i32
      %and3A_55 = arith.andi %scan3A_54, %and3A : i32
      %eq3A = arith.constant 0 : i32
      %eq3A_56 = arith.cmpi eq, %and3A_55, %eq3A : i32
      %convert_element_type3A = arith.extui %eq3A_56 : i1 to i32
      %cond3A = arith.constant 0 : i32
      %cond3A_57 = arith.cmpi ne, %convert_element_type3A, %cond3A : i32
      scf.if %cond3A_57 {
        %ge3A = arith.constant 2 : i32
        %ge3A_65 = arith.cmpi sge, %scan3A_54, %ge3A : i32
        %convert_element_type3A_66 = arith.extui %ge3A_65 : i1 to i32
        %cond3A_67 = arith.constant 0 : i32
        %cond3A_68 = arith.cmpi ne, %convert_element_type3A_66, %cond3A_67 : i32
        scf.if %cond3A_68 {
          %dma_wait3A_84 = arith.constant 0 : i32
          %dma_wait3A_85 = tpu.memref_slice %arg4[%dma_wait3A_84] : memref<12800000xf32, #tpu.memory_space<hbm>> -> memref<32768xf32, #tpu.memory_space<hbm>>
          %dma_wait3A_86 = arith.constant 0 : i32
          %dma_wait3A_87 = tpu.memref_slice %arg4[%dma_wait3A_86] : memref<12800000xf32, #tpu.memory_space<hbm>> -> memref<32768xf32, #tpu.memory_space<hbm>>
          tpu.wait_dma2 semaphore(%arg9 : memref<!tpu.dma_semaphore, #tpu.memory_space<semaphore_mem>>) src(%dma_wait3A_87 : memref<32768xf32, #tpu.memory_space<hbm>>) dst(%arg7 : memref<32768xf32, #tpu.memory_space<vmem>>)
        } else {
        }
        %mul3A_69 = arith.constant 256 : i32
        %mul3A_70 = arith.muli %scan3A_54, %mul3A_69 : i32
        %scan3A_71 = arith.constant 0 : i32
        %scan3A_72 = arith.constant 0 : i32
        %scan3A_73 = arith.constant 16 : i32
        %scan3A_74 = arith.addi %scan3A_72, %scan3A_73 : i32
        %scan3A_75 = arith.constant 1 : i32
        scf.for %scan3A_84 = %scan3A_72 to %scan3A_74 step %scan3A_75  : i32 {
          %mul3A_85 = arith.constant 16 : i32
          %mul3A_86 = arith.muli %scan3A_84, %mul3A_85 : i32
          %add3A_87 = arith.addi %mul3A_70, %mul3A_86 : i32
          %get3A = arith.index_cast %add3A_87 : i32 to index
          %get3A_88 = tpu.vector_load %arg5[%get3A] {strides = array<i32>} : memref<3136xi32, #tpu.memory_space<vmem>>, vector<16xi32>,
          %max3A = arith.constant 0 : i32
          %max3A_89 = vector.broadcast %max3A : i32 to vector<16xi32>
          %max3A_90 = arith.maxsi %get3A_88, %max3A_89 : vector<16xi32>
          %min3A = arith.constant 99 : i32
          %min3A_91 = vector.broadcast %min3A : i32 to vector<16xi32>
          %min3A_92 = arith.minsi %max3A_90, %min3A_91 : vector<16xi32>
          %mul3A_93 = arith.constant 128 : i32
          %mul3A_94 = vector.broadcast %mul3A_93 : i32 to vector<16xi32>
          %mul3A_95 = arith.muli %min3A_92, %mul3A_94 : vector<16xi32>
          %mul3A_96 = arith.constant 16 : i32
          %mul3A_97 = arith.muli %scan3A_84, %mul3A_96 : i32
          %add3A_98 = vector.broadcast %mul3A_97 : i32 to vector<16xi32>
          %add3A_99 = arith.addi %add3A_98, %iota3A : vector<16xi32>
          %mul3A_100 = arith.constant 128 : i32
          %mul3A_101 = vector.broadcast %mul3A_100 : i32 to vector<16xi32>
          %mul3A_102 = arith.muli %add3A_99, %mul3A_101 : vector<16xi32>
          %parallel_loop3A = arith.constant 0 : i32
          %parallel_loop3A_103 = arith.constant 16 : i32
          %parallel_loop3A_104 = arith.constant 1 : i32
          scf.for %parallel_loop3A_105 = %parallel_loop3A to %parallel_loop3A_103 step %parallel_loop3A_104  : i32 {
            %parallel_loop3A_106 = vector.broadcast %parallel_loop3A_105 : i32 to vector<16xi32>
            %parallel_loop3A_107 = arith.addi %iota3A, %parallel_loop3A_106 : vector<16xi32>
            %parallel_loop3A_108 = arith.constant 15 : i32
            %parallel_loop3A_109 = vector.broadcast %parallel_loop3A_108 : i32 to vector<16xi32>
            %parallel_loop3A_110 = arith.andi %parallel_loop3A_107, %parallel_loop3A_109 : vector<16xi32>
            %parallel_loop3A_111 = arith.addi %mul3A_95, %parallel_loop3A_110 : vector<16xi32>
            %parallel_loop3A_112 = arith.addi %mul3A_102, %parallel_loop3A_110 : vector<16xi32>
            %parallel_loop3A_113 = arith.constant 0 : i32
            %parallel_loop3A_114 = vector.broadcast %parallel_loop3A_113 : i32 to vector<16xi32>
            %parallel_loop3A_115 = arith.addi %parallel_loop3A_111, %parallel_loop3A_114 : vector<16xi32>
            %parallel_loop3A_116 = tpu.vector_load_idx %arg6[%parallel_loop3A_115] : memref<12800xf32, #tpu.memory_space<vmem>>[vector<16xi32>], vector<16xf32>,
            %parallel_loop3A_117 = arith.constant 16 : i32
            %parallel_loop3A_118 = vector.broadcast %parallel_loop3A_117 : i32 to vector<16xi32>
            %parallel_loop3A_119 = arith.addi %parallel_loop3A_111, %parallel_loop3A_118 : vector<16xi32>
            %parallel_loop3A_120 = tpu.vector_load_idx %arg6[%parallel_loop3A_119] : memref<12800xf32, #tpu.memory_space<vmem>>[vector<16xi32>], vector<16xf32>,
            %parallel_loop3A_121 = arith.constant 32 : i32
            %parallel_loop3A_122 = vector.broadcast %parallel_loop3A_121 : i32 to vector<16xi32>
            %parallel_loop3A_123 = arith.addi %parallel_loop3A_111, %parallel_loop3A_122 : vector<16xi32>
            %parallel_loop3A_124 = tpu.vector_load_idx %arg6[%parallel_loop3A_123] : memref<12800xf32, #tpu.memory_space<vmem>>[vector<16xi32>], vector<16xf32>,
            %parallel_loop3A_125 = arith.constant 48 : i32
            %parallel_loop3A_126 = vector.broadcast %parallel_loop3A_125 : i32 to vector<16xi32>
            %parallel_loop3A_127 = arith.addi %parallel_loop3A_111, %parallel_loop3A_126 : vector<16xi32>
            %parallel_loop3A_128 = tpu.vector_load_idx %arg6[%parallel_loop3A_127] : memref<12800xf32, #tpu.memory_space<vmem>>[vector<16xi32>], vector<16xf32>,
            %parallel_loop3A_129 = arith.constant 64 : i32
            %parallel_loop3A_130 = vector.broadcast %parallel_loop3A_129 : i32 to vector<16xi32>
            %parallel_loop3A_131 = arith.addi %parallel_loop3A_111, %parallel_loop3A_130 : vector<16xi32>
            %parallel_loop3A_132 = tpu.vector_load_idx %arg6[%parallel_loop3A_131] : memref<12800xf32, #tpu.memory_space<vmem>>[vector<16xi32>], vector<16xf32>,
            %parallel_loop3A_133 = arith.constant 80 : i32
            %parallel_loop3A_134 = vector.broadcast %parallel_loop3A_133 : i32 to vector<16xi32>
            %parallel_loop3A_135 = arith.addi %parallel_loop3A_111, %parallel_loop3A_134 : vector<16xi32>
            %parallel_loop3A_136 = tpu.vector_load_idx %arg6[%parallel_loop3A_135] : memref<12800xf32, #tpu.memory_space<vmem>>[vector<16xi32>], vector<16xf32>,
            %parallel_loop3A_137 = arith.constant 96 : i32
            %parallel_loop3A_138 = vector.broadcast %parallel_loop3A_137 : i32 to vector<16xi32>
            %parallel_loop3A_139 = arith.addi %parallel_loop3A_111, %parallel_loop3A_138 : vector<16xi32>
            %parallel_loop3A_140 = tpu.vector_load_idx %arg6[%parallel_loop3A_139] : memref<12800xf32, #tpu.memory_space<vmem>>[vector<16xi32>], vector<16xf32>,
            %parallel_loop3A_141 = arith.constant 112 : i32
            %parallel_loop3A_142 = vector.broadcast %parallel_loop3A_141 : i32 to vector<16xi32>
            %parallel_loop3A_143 = arith.addi %parallel_loop3A_111, %parallel_loop3A_142 : vector<16xi32>
            %parallel_loop3A_144 = tpu.vector_load_idx %arg6[%parallel_loop3A_143] : memref<12800xf32, #tpu.memory_space<vmem>>[vector<16xi32>], vector<16xf32>,
            %parallel_loop3A_145 = arith.constant 0 : i32
            %parallel_loop3A_146 = vector.broadcast %parallel_loop3A_145 : i32 to vector<16xi32>
            %parallel_loop3A_147 = arith.addi %parallel_loop3A_112, %parallel_loop3A_146 : vector<16xi32>
            tpu.vector_store_idx %arg7[%parallel_loop3A_147], %parallel_loop3A_116 : memref<32768xf32, #tpu.memory_space<vmem>>[vector<16xi32>], vector<16xf32>,
            %parallel_loop3A_148 = arith.constant 16 : i32
            %parallel_loop3A_149 = vector.broadcast %parallel_loop3A_148 : i32 to vector<16xi32>
            %parallel_loop3A_150 = arith.addi %parallel_loop3A_112, %parallel_loop3A_149 : vector<16xi32>
            tpu.vector_store_idx %arg7[%parallel_loop3A_150], %parallel_loop3A_120 : memref<32768xf32, #tpu.memory_space<vmem>>[vector<16xi32>], vector<16xf32>,
            %parallel_loop3A_151 = arith.constant 32 : i32
            %parallel_loop3A_152 = vector.broadcast %parallel_loop3A_151 : i32 to vector<16xi32>
            %parallel_loop3A_153 = arith.addi %parallel_loop3A_112, %parallel_loop3A_152 : vector<16xi32>
            tpu.vector_store_idx %arg7[%parallel_loop3A_153], %parallel_loop3A_124 : memref<32768xf32, #tpu.memory_space<vmem>>[vector<16xi32>], vector<16xf32>,
            %parallel_loop3A_154 = arith.constant 48 : i32
            %parallel_loop3A_155 = vector.broadcast %parallel_loop3A_154 : i32 to vector<16xi32>
            %parallel_loop3A_156 = arith.addi %parallel_loop3A_112, %parallel_loop3A_155 : vector<16xi32>
            tpu.vector_store_idx %arg7[%parallel_loop3A_156], %parallel_loop3A_128 : memref<32768xf32, #tpu.memory_space<vmem>>[vector<16xi32>], vector<16xf32>,
            %parallel_loop3A_157 = arith.constant 64 : i32
            %parallel_loop3A_158 = vector.broadcast %parallel_loop3A_157 : i32 to vector<16xi32>
            %parallel_loop3A_159 = arith.addi %parallel_loop3A_112, %parallel_loop3A_158 : vector<16xi32>
            tpu.vector_store_idx %arg7[%parallel_loop3A_159], %parallel_loop3A_132 : memref<32768xf32, #tpu.memory_space<vmem>>[vector<16xi32>], vector<16xf32>,
            %parallel_loop3A_160 = arith.constant 80 : i32
            %parallel_loop3A_161 = vector.broadcast %parallel_loop3A_160 : i32 to vector<16xi32>
            %parallel_loop3A_162 = arith.addi %parallel_loop3A_112, %parallel_loop3A_161 : vector<16xi32>
            tpu.vector_store_idx %arg7[%parallel_loop3A_162], %parallel_loop3A_136 : memref<32768xf32, #tpu.memory_space<vmem>>[vector<16xi32>], vector<16xf32>,
            %parallel_loop3A_163 = arith.constant 96 : i32
            %parallel_loop3A_164 = vector.broadcast %parallel_loop3A_163 : i32 to vector<16xi32>
            %parallel_loop3A_165 = arith.addi %parallel_loop3A_112, %parallel_loop3A_164 : vector<16xi32>
            tpu.vector_store_idx %arg7[%parallel_loop3A_165], %parallel_loop3A_140 : memref<32768xf32, #tpu.memory_space<vmem>>[vector<16xi32>], vector<16xf32>,
            %parallel_loop3A_166 = arith.constant 112 : i32
            %parallel_loop3A_167 = vector.broadcast %parallel_loop3A_166 : i32 to vector<16xi32>
            %parallel_loop3A_168 = arith.addi %parallel_loop3A_112, %parallel_loop3A_167 : vector<16xi32>
            tpu.vector_store_idx %arg7[%parallel_loop3A_168], %parallel_loop3A_144 : memref<32768xf32, #tpu.memory_space<vmem>>[vector<16xi32>], vector<16xf32>,
          } {sc.loop_unroll_factor = 4 : i64, sc.parallel_access}
        }
        %scan3A_76 = arith.constant 16 : i32
        %mul3A_77 = arith.constant 256 : i32
        %mul3A_78 = arith.muli %scan3A_54, %mul3A_77 : i32
        %mul3A_79 = arith.constant 128 : i32
        %mul3A_80 = arith.muli %mul3A_78, %mul3A_79 : i32
        %add3A_81 = arith.addi %mul3A_20, %mul3A_80 : i32
        %dma_start3A_82 = tpu.memref_slice %arg4[%add3A_81] : memref<12800000xf32, #tpu.memory_space<hbm>> -> memref<32768xf32, #tpu.memory_space<hbm>>
        %dma_start3A_83 = tpu.memref_slice %arg4[%add3A_81] : memref<12800000xf32, #tpu.memory_space<hbm>> -> memref<32768xf32, #tpu.memory_space<hbm>>
        tpu.enqueue_dma source(%arg7 : memref<32768xf32, #tpu.memory_space<vmem>>) target(%dma_start3A_83 : memref<32768xf32, #tpu.memory_space<hbm>>) target_semaphore(%arg9 : memref<!tpu.dma_semaphore, #tpu.memory_space<semaphore_mem>>)
      } else {
      }
      %and3A_58 = arith.constant 1 : i32
      %and3A_59 = arith.andi %scan3A_54, %and3A_58 : i32
      %eq3A_60 = arith.constant 1 : i32
      %eq3A_61 = arith.cmpi eq, %and3A_59, %eq3A_60 : i32
      %convert_element_type3A_62 = arith.extui %eq3A_61 : i1 to i32
      %cond3A_63 = arith.constant 0 : i32
      %cond3A_64 = arith.cmpi ne, %convert_element_type3A_62, %cond3A_63 : i32
      scf.if %cond3A_64 {
        %ge3A = arith.constant 2 : i32
        %ge3A_65 = arith.cmpi sge, %scan3A_54, %ge3A : i32
        %convert_element_type3A_66 = arith.extui %ge3A_65 : i1 to i32
        %cond3A_67 = arith.constant 0 : i32
        %cond3A_68 = arith.cmpi ne, %convert_element_type3A_66, %cond3A_67 : i32
        scf.if %cond3A_68 {
          %dma_wait3A_84 = arith.constant 0 : i32
          %dma_wait3A_85 = tpu.memref_slice %arg4[%dma_wait3A_84] : memref<12800000xf32, #tpu.memory_space<hbm>> -> memref<32768xf32, #tpu.memory_space<hbm>>
          %dma_wait3A_86 = arith.constant 0 : i32
          %dma_wait3A_87 = tpu.memref_slice %arg4[%dma_wait3A_86] : memref<12800000xf32, #tpu.memory_space<hbm>> -> memref<32768xf32, #tpu.memory_space<hbm>>
          tpu.wait_dma2 semaphore(%arg10 : memref<!tpu.dma_semaphore, #tpu.memory_space<semaphore_mem>>) src(%dma_wait3A_87 : memref<32768xf32, #tpu.memory_space<hbm>>) dst(%arg8 : memref<32768xf32, #tpu.memory_space<vmem>>)
        } else {
        }
        %mul3A_69 = arith.constant 256 : i32
        %mul3A_70 = arith.muli %scan3A_54, %mul3A_69 : i32
        %scan3A_71 = arith.constant 0 : i32
        %scan3A_72 = arith.constant 0 : i32
        %scan3A_73 = arith.constant 16 : i32
        %scan3A_74 = arith.addi %scan3A_72, %scan3A_73 : i32
        %scan3A_75 = arith.constant 1 : i32
        scf.for %scan3A_84 = %scan3A_72 to %scan3A_74 step %scan3A_75  : i32 {
          %mul3A_85 = arith.constant 16 : i32
          %mul3A_86 = arith.muli %scan3A_84, %mul3A_85 : i32
          %add3A_87 = arith.addi %mul3A_70, %mul3A_86 : i32
          %get3A = arith.index_cast %add3A_87 : i32 to index
          %get3A_88 = tpu.vector_load %arg5[%get3A] {strides = array<i32>} : memref<3136xi32, #tpu.memory_space<vmem>>, vector<16xi32>,
          %max3A = arith.constant 0 : i32
          %max3A_89 = vector.broadcast %max3A : i32 to vector<16xi32>
          %max3A_90 = arith.maxsi %get3A_88, %max3A_89 : vector<16xi32>
          %min3A = arith.constant 99 : i32
          %min3A_91 = vector.broadcast %min3A : i32 to vector<16xi32>
          %min3A_92 = arith.minsi %max3A_90, %min3A_91 : vector<16xi32>
          %mul3A_93 = arith.constant 128 : i32
          %mul3A_94 = vector.broadcast %mul3A_93 : i32 to vector<16xi32>
          %mul3A_95 = arith.muli %min3A_92, %mul3A_94 : vector<16xi32>
          %mul3A_96 = arith.constant 16 : i32
          %mul3A_97 = arith.muli %scan3A_84, %mul3A_96 : i32
          %add3A_98 = vector.broadcast %mul3A_97 : i32 to vector<16xi32>
          %add3A_99 = arith.addi %add3A_98, %iota3A : vector<16xi32>
          %mul3A_100 = arith.constant 128 : i32
          %mul3A_101 = vector.broadcast %mul3A_100 : i32 to vector<16xi32>
          %mul3A_102 = arith.muli %add3A_99, %mul3A_101 : vector<16xi32>
          %parallel_loop3A = arith.constant 0 : i32
          %parallel_loop3A_103 = arith.constant 16 : i32
          %parallel_loop3A_104 = arith.constant 1 : i32
          scf.for %parallel_loop3A_105 = %parallel_loop3A to %parallel_loop3A_103 step %parallel_loop3A_104  : i32 {
            %parallel_loop3A_106 = vector.broadcast %parallel_loop3A_105 : i32 to vector<16xi32>
            %parallel_loop3A_107 = arith.addi %iota3A, %parallel_loop3A_106 : vector<16xi32>
            %parallel_loop3A_108 = arith.constant 15 : i32
            %parallel_loop3A_109 = vector.broadcast %parallel_loop3A_108 : i32 to vector<16xi32>
            %parallel_loop3A_110 = arith.andi %parallel_loop3A_107, %parallel_loop3A_109 : vector<16xi32>
            %parallel_loop3A_111 = arith.addi %mul3A_95, %parallel_loop3A_110 : vector<16xi32>
            %parallel_loop3A_112 = arith.addi %mul3A_102, %parallel_loop3A_110 : vector<16xi32>
            %parallel_loop3A_113 = arith.constant 0 : i32
            %parallel_loop3A_114 = vector.broadcast %parallel_loop3A_113 : i32 to vector<16xi32>
            %parallel_loop3A_115 = arith.addi %parallel_loop3A_111, %parallel_loop3A_114 : vector<16xi32>
            %parallel_loop3A_116 = tpu.vector_load_idx %arg6[%parallel_loop3A_115] : memref<12800xf32, #tpu.memory_space<vmem>>[vector<16xi32>], vector<16xf32>,
            %parallel_loop3A_117 = arith.constant 16 : i32
            %parallel_loop3A_118 = vector.broadcast %parallel_loop3A_117 : i32 to vector<16xi32>
            %parallel_loop3A_119 = arith.addi %parallel_loop3A_111, %parallel_loop3A_118 : vector<16xi32>
            %parallel_loop3A_120 = tpu.vector_load_idx %arg6[%parallel_loop3A_119] : memref<12800xf32, #tpu.memory_space<vmem>>[vector<16xi32>], vector<16xf32>,
            %parallel_loop3A_121 = arith.constant 32 : i32
            %parallel_loop3A_122 = vector.broadcast %parallel_loop3A_121 : i32 to vector<16xi32>
            %parallel_loop3A_123 = arith.addi %parallel_loop3A_111, %parallel_loop3A_122 : vector<16xi32>
            %parallel_loop3A_124 = tpu.vector_load_idx %arg6[%parallel_loop3A_123] : memref<12800xf32, #tpu.memory_space<vmem>>[vector<16xi32>], vector<16xf32>,
            %parallel_loop3A_125 = arith.constant 48 : i32
            %parallel_loop3A_126 = vector.broadcast %parallel_loop3A_125 : i32 to vector<16xi32>
            %parallel_loop3A_127 = arith.addi %parallel_loop3A_111, %parallel_loop3A_126 : vector<16xi32>
            %parallel_loop3A_128 = tpu.vector_load_idx %arg6[%parallel_loop3A_127] : memref<12800xf32, #tpu.memory_space<vmem>>[vector<16xi32>], vector<16xf32>,
            %parallel_loop3A_129 = arith.constant 64 : i32
            %parallel_loop3A_130 = vector.broadcast %parallel_loop3A_129 : i32 to vector<16xi32>
            %parallel_loop3A_131 = arith.addi %parallel_loop3A_111, %parallel_loop3A_130 : vector<16xi32>
            %parallel_loop3A_132 = tpu.vector_load_idx %arg6[%parallel_loop3A_131] : memref<12800xf32, #tpu.memory_space<vmem>>[vector<16xi32>], vector<16xf32>,
            %parallel_loop3A_133 = arith.constant 80 : i32
            %parallel_loop3A_134 = vector.broadcast %parallel_loop3A_133 : i32 to vector<16xi32>
            %parallel_loop3A_135 = arith.addi %parallel_loop3A_111, %parallel_loop3A_134 : vector<16xi32>
            %parallel_loop3A_136 = tpu.vector_load_idx %arg6[%parallel_loop3A_135] : memref<12800xf32, #tpu.memory_space<vmem>>[vector<16xi32>], vector<16xf32>,
            %parallel_loop3A_137 = arith.constant 96 : i32
            %parallel_loop3A_138 = vector.broadcast %parallel_loop3A_137 : i32 to vector<16xi32>
            %parallel_loop3A_139 = arith.addi %parallel_loop3A_111, %parallel_loop3A_138 : vector<16xi32>
            %parallel_loop3A_140 = tpu.vector_load_idx %arg6[%parallel_loop3A_139] : memref<12800xf32, #tpu.memory_space<vmem>>[vector<16xi32>], vector<16xf32>,
            %parallel_loop3A_141 = arith.constant 112 : i32
            %parallel_loop3A_142 = vector.broadcast %parallel_loop3A_141 : i32 to vector<16xi32>
            %parallel_loop3A_143 = arith.addi %parallel_loop3A_111, %parallel_loop3A_142 : vector<16xi32>
            %parallel_loop3A_144 = tpu.vector_load_idx %arg6[%parallel_loop3A_143] : memref<12800xf32, #tpu.memory_space<vmem>>[vector<16xi32>], vector<16xf32>,
            %parallel_loop3A_145 = arith.constant 0 : i32
            %parallel_loop3A_146 = vector.broadcast %parallel_loop3A_145 : i32 to vector<16xi32>
            %parallel_loop3A_147 = arith.addi %parallel_loop3A_112, %parallel_loop3A_146 : vector<16xi32>
            tpu.vector_store_idx %arg8[%parallel_loop3A_147], %parallel_loop3A_116 : memref<32768xf32, #tpu.memory_space<vmem>>[vector<16xi32>], vector<16xf32>,
            %parallel_loop3A_148 = arith.constant 16 : i32
            %parallel_loop3A_149 = vector.broadcast %parallel_loop3A_148 : i32 to vector<16xi32>
            %parallel_loop3A_150 = arith.addi %parallel_loop3A_112, %parallel_loop3A_149 : vector<16xi32>
            tpu.vector_store_idx %arg8[%parallel_loop3A_150], %parallel_loop3A_120 : memref<32768xf32, #tpu.memory_space<vmem>>[vector<16xi32>], vector<16xf32>,
            %parallel_loop3A_151 = arith.constant 32 : i32
            %parallel_loop3A_152 = vector.broadcast %parallel_loop3A_151 : i32 to vector<16xi32>
            %parallel_loop3A_153 = arith.addi %parallel_loop3A_112, %parallel_loop3A_152 : vector<16xi32>
            tpu.vector_store_idx %arg8[%parallel_loop3A_153], %parallel_loop3A_124 : memref<32768xf32, #tpu.memory_space<vmem>>[vector<16xi32>], vector<16xf32>,
            %parallel_loop3A_154 = arith.constant 48 : i32
            %parallel_loop3A_155 = vector.broadcast %parallel_loop3A_154 : i32 to vector<16xi32>
            %parallel_loop3A_156 = arith.addi %parallel_loop3A_112, %parallel_loop3A_155 : vector<16xi32>
            tpu.vector_store_idx %arg8[%parallel_loop3A_156], %parallel_loop3A_128 : memref<32768xf32, #tpu.memory_space<vmem>>[vector<16xi32>], vector<16xf32>,
            %parallel_loop3A_157 = arith.constant 64 : i32
            %parallel_loop3A_158 = vector.broadcast %parallel_loop3A_157 : i32 to vector<16xi32>
            %parallel_loop3A_159 = arith.addi %parallel_loop3A_112, %parallel_loop3A_158 : vector<16xi32>
            tpu.vector_store_idx %arg8[%parallel_loop3A_159], %parallel_loop3A_132 : memref<32768xf32, #tpu.memory_space<vmem>>[vector<16xi32>], vector<16xf32>,
            %parallel_loop3A_160 = arith.constant 80 : i32
            %parallel_loop3A_161 = vector.broadcast %parallel_loop3A_160 : i32 to vector<16xi32>
            %parallel_loop3A_162 = arith.addi %parallel_loop3A_112, %parallel_loop3A_161 : vector<16xi32>
            tpu.vector_store_idx %arg8[%parallel_loop3A_162], %parallel_loop3A_136 : memref<32768xf32, #tpu.memory_space<vmem>>[vector<16xi32>], vector<16xf32>,
            %parallel_loop3A_163 = arith.constant 96 : i32
            %parallel_loop3A_164 = vector.broadcast %parallel_loop3A_163 : i32 to vector<16xi32>
            %parallel_loop3A_165 = arith.addi %parallel_loop3A_112, %parallel_loop3A_164 : vector<16xi32>
            tpu.vector_store_idx %arg8[%parallel_loop3A_165], %parallel_loop3A_140 : memref<32768xf32, #tpu.memory_space<vmem>>[vector<16xi32>], vector<16xf32>,
            %parallel_loop3A_166 = arith.constant 112 : i32
            %parallel_loop3A_167 = vector.broadcast %parallel_loop3A_166 : i32 to vector<16xi32>
            %parallel_loop3A_168 = arith.addi %parallel_loop3A_112, %parallel_loop3A_167 : vector<16xi32>
            tpu.vector_store_idx %arg8[%parallel_loop3A_168], %parallel_loop3A_144 : memref<32768xf32, #tpu.memory_space<vmem>>[vector<16xi32>], vector<16xf32>,
          } {sc.loop_unroll_factor = 4 : i64, sc.parallel_access}
        }
        %scan3A_76 = arith.constant 16 : i32
        %mul3A_77 = arith.constant 256 : i32
        %mul3A_78 = arith.muli %scan3A_54, %mul3A_77 : i32
        %mul3A_79 = arith.constant 128 : i32
        %mul3A_80 = arith.muli %mul3A_78, %mul3A_79 : i32
        %add3A_81 = arith.addi %mul3A_20, %mul3A_80 : i32
        %dma_start3A_82 = tpu.memref_slice %arg4[%add3A_81] : memref<12800000xf32, #tpu.memory_space<hbm>> -> memref<32768xf32, #tpu.memory_space<hbm>>
        %dma_start3A_83 = tpu.memref_slice %arg4[%add3A_81] : memref<12800000xf32, #tpu.memory_space<hbm>> -> memref<32768xf32, #tpu.memory_space<hbm>>
        tpu.enqueue_dma source(%arg8 : memref<32768xf32, #tpu.memory_space<vmem>>) target(%dma_start3A_83 : memref<32768xf32, #tpu.memory_space<hbm>>) target_semaphore(%arg10 : memref<!tpu.dma_semaphore, #tpu.memory_space<semaphore_mem>>)
      } else {
      }
    }
    %scan3A_25 = arith.constant 12 : i32
    %dma_wait3A = arith.constant 0 : i32
    %dma_wait3A_26 = tpu.memref_slice %arg4[%dma_wait3A] : memref<12800000xf32, #tpu.memory_space<hbm>> -> memref<32768xf32, #tpu.memory_space<hbm>>
    %dma_wait3A_27 = arith.constant 0 : i32
    %dma_wait3A_28 = tpu.memref_slice %arg4[%dma_wait3A_27] : memref<12800000xf32, #tpu.memory_space<hbm>> -> memref<32768xf32, #tpu.memory_space<hbm>>
    tpu.wait_dma2 semaphore(%arg9 : memref<!tpu.dma_semaphore, #tpu.memory_space<semaphore_mem>>) src(%dma_wait3A_28 : memref<32768xf32, #tpu.memory_space<hbm>>) dst(%arg7 : memref<32768xf32, #tpu.memory_space<vmem>>)
    %scan3A_29 = arith.constant 0 : i32
    %scan3A_30 = arith.constant 0 : i32
    %scan3A_31 = arith.constant 4 : i32
    %scan3A_32 = arith.addi %scan3A_30, %scan3A_31 : i32
    %scan3A_33 = arith.constant 1 : i32
    scf.for %scan3A_54 = %scan3A_30 to %scan3A_32 step %scan3A_33  : i32 {
      %mul3A_55 = arith.constant 16 : i32
      %mul3A_56 = arith.muli %scan3A_54, %mul3A_55 : i32
      %add3A_57 = arith.constant 3072 : i32
      %add3A_58 = arith.addi %add3A_57, %mul3A_56 : i32
      %get3A = arith.index_cast %add3A_58 : i32 to index
      %get3A_59 = tpu.vector_load %arg5[%get3A] {strides = array<i32>} : memref<3136xi32, #tpu.memory_space<vmem>>, vector<16xi32>,
      %max3A = arith.constant 0 : i32
      %max3A_60 = vector.broadcast %max3A : i32 to vector<16xi32>
      %max3A_61 = arith.maxsi %get3A_59, %max3A_60 : vector<16xi32>
      %min3A = arith.constant 99 : i32
      %min3A_62 = vector.broadcast %min3A : i32 to vector<16xi32>
      %min3A_63 = arith.minsi %max3A_61, %min3A_62 : vector<16xi32>
      %mul3A_64 = arith.constant 128 : i32
      %mul3A_65 = vector.broadcast %mul3A_64 : i32 to vector<16xi32>
      %mul3A_66 = arith.muli %min3A_63, %mul3A_65 : vector<16xi32>
      %mul3A_67 = arith.constant 16 : i32
      %mul3A_68 = arith.muli %scan3A_54, %mul3A_67 : i32
      %add3A_69 = vector.broadcast %mul3A_68 : i32 to vector<16xi32>
      %add3A_70 = arith.addi %add3A_69, %iota3A : vector<16xi32>
      %mul3A_71 = arith.constant 128 : i32
      %mul3A_72 = vector.broadcast %mul3A_71 : i32 to vector<16xi32>
      %mul3A_73 = arith.muli %add3A_70, %mul3A_72 : vector<16xi32>
      %parallel_loop3A = arith.constant 0 : i32
      %parallel_loop3A_74 = arith.constant 16 : i32
      %parallel_loop3A_75 = arith.constant 1 : i32
      scf.for %parallel_loop3A_76 = %parallel_loop3A to %parallel_loop3A_74 step %parallel_loop3A_75  : i32 {
        %parallel_loop3A_77 = vector.broadcast %parallel_loop3A_76 : i32 to vector<16xi32>
        %parallel_loop3A_78 = arith.addi %iota3A, %parallel_loop3A_77 : vector<16xi32>
        %parallel_loop3A_79 = arith.constant 15 : i32
        %parallel_loop3A_80 = vector.broadcast %parallel_loop3A_79 : i32 to vector<16xi32>
        %parallel_loop3A_81 = arith.andi %parallel_loop3A_78, %parallel_loop3A_80 : vector<16xi32>
        %parallel_loop3A_82 = arith.addi %mul3A_66, %parallel_loop3A_81 : vector<16xi32>
        %parallel_loop3A_83 = arith.addi %mul3A_73, %parallel_loop3A_81 : vector<16xi32>
        %parallel_loop3A_84 = arith.constant 0 : i32
        %parallel_loop3A_85 = vector.broadcast %parallel_loop3A_84 : i32 to vector<16xi32>
        %parallel_loop3A_86 = arith.addi %parallel_loop3A_82, %parallel_loop3A_85 : vector<16xi32>
        %parallel_loop3A_87 = tpu.vector_load_idx %arg6[%parallel_loop3A_86] : memref<12800xf32, #tpu.memory_space<vmem>>[vector<16xi32>], vector<16xf32>,
        %parallel_loop3A_88 = arith.constant 16 : i32
        %parallel_loop3A_89 = vector.broadcast %parallel_loop3A_88 : i32 to vector<16xi32>
        %parallel_loop3A_90 = arith.addi %parallel_loop3A_82, %parallel_loop3A_89 : vector<16xi32>
        %parallel_loop3A_91 = tpu.vector_load_idx %arg6[%parallel_loop3A_90] : memref<12800xf32, #tpu.memory_space<vmem>>[vector<16xi32>], vector<16xf32>,
        %parallel_loop3A_92 = arith.constant 32 : i32
        %parallel_loop3A_93 = vector.broadcast %parallel_loop3A_92 : i32 to vector<16xi32>
        %parallel_loop3A_94 = arith.addi %parallel_loop3A_82, %parallel_loop3A_93 : vector<16xi32>
        %parallel_loop3A_95 = tpu.vector_load_idx %arg6[%parallel_loop3A_94] : memref<12800xf32, #tpu.memory_space<vmem>>[vector<16xi32>], vector<16xf32>,
        %parallel_loop3A_96 = arith.constant 48 : i32
        %parallel_loop3A_97 = vector.broadcast %parallel_loop3A_96 : i32 to vector<16xi32>
        %parallel_loop3A_98 = arith.addi %parallel_loop3A_82, %parallel_loop3A_97 : vector<16xi32>
        %parallel_loop3A_99 = tpu.vector_load_idx %arg6[%parallel_loop3A_98] : memref<12800xf32, #tpu.memory_space<vmem>>[vector<16xi32>], vector<16xf32>,
        %parallel_loop3A_100 = arith.constant 64 : i32
        %parallel_loop3A_101 = vector.broadcast %parallel_loop3A_100 : i32 to vector<16xi32>
        %parallel_loop3A_102 = arith.addi %parallel_loop3A_82, %parallel_loop3A_101 : vector<16xi32>
        %parallel_loop3A_103 = tpu.vector_load_idx %arg6[%parallel_loop3A_102] : memref<12800xf32, #tpu.memory_space<vmem>>[vector<16xi32>], vector<16xf32>,
        %parallel_loop3A_104 = arith.constant 80 : i32
        %parallel_loop3A_105 = vector.broadcast %parallel_loop3A_104 : i32 to vector<16xi32>
        %parallel_loop3A_106 = arith.addi %parallel_loop3A_82, %parallel_loop3A_105 : vector<16xi32>
        %parallel_loop3A_107 = tpu.vector_load_idx %arg6[%parallel_loop3A_106] : memref<12800xf32, #tpu.memory_space<vmem>>[vector<16xi32>], vector<16xf32>,
        %parallel_loop3A_108 = arith.constant 96 : i32
        %parallel_loop3A_109 = vector.broadcast %parallel_loop3A_108 : i32 to vector<16xi32>
        %parallel_loop3A_110 = arith.addi %parallel_loop3A_82, %parallel_loop3A_109 : vector<16xi32>
        %parallel_loop3A_111 = tpu.vector_load_idx %arg6[%parallel_loop3A_110] : memref<12800xf32, #tpu.memory_space<vmem>>[vector<16xi32>], vector<16xf32>,
        %parallel_loop3A_112 = arith.constant 112 : i32
        %parallel_loop3A_113 = vector.broadcast %parallel_loop3A_112 : i32 to vector<16xi32>
        %parallel_loop3A_114 = arith.addi %parallel_loop3A_82, %parallel_loop3A_113 : vector<16xi32>
        %parallel_loop3A_115 = tpu.vector_load_idx %arg6[%parallel_loop3A_114] : memref<12800xf32, #tpu.memory_space<vmem>>[vector<16xi32>], vector<16xf32>,
        %parallel_loop3A_116 = arith.constant 0 : i32
        %parallel_loop3A_117 = vector.broadcast %parallel_loop3A_116 : i32 to vector<16xi32>
        %parallel_loop3A_118 = arith.addi %parallel_loop3A_83, %parallel_loop3A_117 : vector<16xi32>
        tpu.vector_store_idx %arg7[%parallel_loop3A_118], %parallel_loop3A_87 : memref<32768xf32, #tpu.memory_space<vmem>>[vector<16xi32>], vector<16xf32>,
        %parallel_loop3A_119 = arith.constant 16 : i32
        %parallel_loop3A_120 = vector.broadcast %parallel_loop3A_119 : i32 to vector<16xi32>
        %parallel_loop3A_121 = arith.addi %parallel_loop3A_83, %parallel_loop3A_120 : vector<16xi32>
        tpu.vector_store_idx %arg7[%parallel_loop3A_121], %parallel_loop3A_91 : memref<32768xf32, #tpu.memory_space<vmem>>[vector<16xi32>], vector<16xf32>,
        %parallel_loop3A_122 = arith.constant 32 : i32
        %parallel_loop3A_123 = vector.broadcast %parallel_loop3A_122 : i32 to vector<16xi32>
        %parallel_loop3A_124 = arith.addi %parallel_loop3A_83, %parallel_loop3A_123 : vector<16xi32>
        tpu.vector_store_idx %arg7[%parallel_loop3A_124], %parallel_loop3A_95 : memref<32768xf32, #tpu.memory_space<vmem>>[vector<16xi32>], vector<16xf32>,
        %parallel_loop3A_125 = arith.constant 48 : i32
        %parallel_loop3A_126 = vector.broadcast %parallel_loop3A_125 : i32 to vector<16xi32>
        %parallel_loop3A_127 = arith.addi %parallel_loop3A_83, %parallel_loop3A_126 : vector<16xi32>
        tpu.vector_store_idx %arg7[%parallel_loop3A_127], %parallel_loop3A_99 : memref<32768xf32, #tpu.memory_space<vmem>>[vector<16xi32>], vector<16xf32>,
        %parallel_loop3A_128 = arith.constant 64 : i32
        %parallel_loop3A_129 = vector.broadcast %parallel_loop3A_128 : i32 to vector<16xi32>
        %parallel_loop3A_130 = arith.addi %parallel_loop3A_83, %parallel_loop3A_129 : vector<16xi32>
        tpu.vector_store_idx %arg7[%parallel_loop3A_130], %parallel_loop3A_103 : memref<32768xf32, #tpu.memory_space<vmem>>[vector<16xi32>], vector<16xf32>,
        %parallel_loop3A_131 = arith.constant 80 : i32
        %parallel_loop3A_132 = vector.broadcast %parallel_loop3A_131 : i32 to vector<16xi32>
        %parallel_loop3A_133 = arith.addi %parallel_loop3A_83, %parallel_loop3A_132 : vector<16xi32>
        tpu.vector_store_idx %arg7[%parallel_loop3A_133], %parallel_loop3A_107 : memref<32768xf32, #tpu.memory_space<vmem>>[vector<16xi32>], vector<16xf32>,
        %parallel_loop3A_134 = arith.constant 96 : i32
        %parallel_loop3A_135 = vector.broadcast %parallel_loop3A_134 : i32 to vector<16xi32>
        %parallel_loop3A_136 = arith.addi %parallel_loop3A_83, %parallel_loop3A_135 : vector<16xi32>
        tpu.vector_store_idx %arg7[%parallel_loop3A_136], %parallel_loop3A_111 : memref<32768xf32, #tpu.memory_space<vmem>>[vector<16xi32>], vector<16xf32>,
        %parallel_loop3A_137 = arith.constant 112 : i32
        %parallel_loop3A_138 = vector.broadcast %parallel_loop3A_137 : i32 to vector<16xi32>
        %parallel_loop3A_139 = arith.addi %parallel_loop3A_83, %parallel_loop3A_138 : vector<16xi32>
        tpu.vector_store_idx %arg7[%parallel_loop3A_139], %parallel_loop3A_115 : memref<32768xf32, #tpu.memory_space<vmem>>[vector<16xi32>], vector<16xf32>,
      } {sc.loop_unroll_factor = 4 : i64, sc.parallel_access}
    }
    %scan3A_34 = arith.constant 4 : i32
    %add3A_35 = arith.constant 393216 : i32
    %add3A_36 = arith.addi %mul3A_20, %add3A_35 : i32
    %dma_start3A = arith.constant 0 : i32
    %dma_start3A_37 = tpu.memref_slice %arg7[%dma_start3A] : memref<32768xf32, #tpu.memory_space<vmem>> -> memref<6784xf32, #tpu.memory_space<vmem>>
    %dma_start3A_38 = tpu.memref_slice %arg4[%add3A_36] : memref<12800000xf32, #tpu.memory_space<hbm>> -> memref<6784xf32, #tpu.memory_space<hbm>>
    %dma_start3A_39 = tpu.memref_slice %arg4[%add3A_36] : memref<12800000xf32, #tpu.memory_space<hbm>> -> memref<6784xf32, #tpu.memory_space<hbm>>
    %dma_start3A_40 = arith.constant 0 : i32
    %dma_start3A_41 = tpu.memref_slice %arg7[%dma_start3A_40] : memref<32768xf32, #tpu.memory_space<vmem>> -> memref<6784xf32, #tpu.memory_space<vmem>>
    tpu.enqueue_dma source(%dma_start3A_41 : memref<6784xf32, #tpu.memory_space<vmem>>) target(%dma_start3A_39 : memref<6784xf32, #tpu.memory_space<hbm>>) target_semaphore(%arg9 : memref<!tpu.dma_semaphore, #tpu.memory_space<semaphore_mem>>)
    %dma_wait3A_42 = arith.constant 0 : i32
    %dma_wait3A_43 = tpu.memref_slice %arg7[%dma_wait3A_42] : memref<32768xf32, #tpu.memory_space<vmem>> -> memref<6784xf32, #tpu.memory_space<vmem>>
    %dma_wait3A_44 = arith.constant 0 : i32
    %dma_wait3A_45 = tpu.memref_slice %arg4[%dma_wait3A_44] : memref<12800000xf32, #tpu.memory_space<hbm>> -> memref<6784xf32, #tpu.memory_space<hbm>>
    %dma_wait3A_46 = arith.constant 0 : i32
    %dma_wait3A_47 = tpu.memref_slice %arg7[%dma_wait3A_46] : memref<32768xf32, #tpu.memory_space<vmem>> -> memref<6784xf32, #tpu.memory_space<vmem>>
    %dma_wait3A_48 = arith.constant 0 : i32
    %dma_wait3A_49 = tpu.memref_slice %arg4[%dma_wait3A_48] : memref<12800000xf32, #tpu.memory_space<hbm>> -> memref<6784xf32, #tpu.memory_space<hbm>>
    tpu.wait_dma2 semaphore(%arg9 : memref<!tpu.dma_semaphore, #tpu.memory_space<semaphore_mem>>) src(%dma_wait3A_49 : memref<6784xf32, #tpu.memory_space<hbm>>) dst(%dma_wait3A_47 : memref<6784xf32, #tpu.memory_space<vmem>>)
    %dma_wait3A_50 = arith.constant 0 : i32
    %dma_wait3A_51 = tpu.memref_slice %arg4[%dma_wait3A_50] : memref<12800000xf32, #tpu.memory_space<hbm>> -> memref<32768xf32, #tpu.memory_space<hbm>>
    %dma_wait3A_52 = arith.constant 0 : i32
    %dma_wait3A_53 = tpu.memref_slice %arg4[%dma_wait3A_52] : memref<12800000xf32, #tpu.memory_space<hbm>> -> memref<32768xf32, #tpu.memory_space<hbm>>
    tpu.wait_dma2 semaphore(%arg10 : memref<!tpu.dma_semaphore, #tpu.memory_space<semaphore_mem>>) src(%dma_wait3A_53 : memref<32768xf32, #tpu.memory_space<hbm>>) dst(%arg8 : memref<32768xf32, #tpu.memory_space<vmem>>)
    return
  }
}

</mosaic_0001>

<sc_bundles>
// kernel: kernel.3.cloned.1.call-start
scs
__scs_entry_jumppad:
0x0: {  	(pc) =	sbr.rel $0x88, $3  }
0x1: {  	(tag) =	ssettag $0x0;
	lr =	simm.s32 $0x1  }
0x2: {  	[smem:$0x3F9F] =	sst lr;
	_ =	strace $0xD0000000  }
0x3: {  	_ = 	snop  }
0x4: {  	_ = 	snop  }
0x5: {  	_ = 	snop  }
0x6: {  	_ = 	snop  }
0x7: {  	_ = 	snop  }
__scs_overlays_trampoline_lowered:
0x8: {  	[smem:$0x3FAE] =	sst s0  }
0x9: {  	[smem:$0x3FAF] =	sst s1  }
0xa: {  	[smem:$0x3FB0] =	sst s2  }
0xb: {  	[smem:$0x3FB1] =	sst s3  }
0xc: {  	[smem:$0x3FB2] =	sst s4  }
0xd: {  	[smem:$0x3FB3] =	sst s5  }
0xe: {  	[smem:$0x3FB4] =	sst s6  }
0xf: {  	[smem:$0x3FB5] =	sst s7  }
0x10: {  	[smem:$0x3FB6] =	sst s8  }
0x11: {  	[smem:$0x3FB7] =	sst s9;
	s0 =	simm.s32 @!p0 $0x0  }
0x12: {  	s1 =	sld [smem:$0x3F9D];
	s0 =	simm.s32 @p0 $0x1  }
0x13: {  	[smem:$0x3FB8] =	sst s0;
	s0 =	simm.s32 @!p1 $0x0  }
0x14: {  	s2 =	sld [smem:$0x3F9C];
	s0 =	simm.s32 @p1 $0x1  }
0x15: {  	[smem:$0x3FB9] =	sst s0;
	s0 =	simm.s32 @!p2 $0x0  }
0x16: {  	s3 =	sld [smem:$0x3FDB];
	s0 =	simm.s32 @p2 $0x1  }
0x17: {  	s4 =	simm.s32 $0x1BF5;
	[smem:$0x3FBB] =	sst s0  }
0x18: {  	s0 =	sld [smem:$0x3F9E];
	_ =	swait.ge [sflag:s4], $0x0  }
0x19: {  	s7 =	sld [smem:$0x3F9F]  }
0x1a: {  	s8 =	sadd.s32 $0xFFFFE003, lr  }
0x1b: {  	s9 =	sadd.s32 $0xFFFFFEF7, lr;
	s5 =	simm.s32 $0xFFFFFFFF;
	p2 =	slt.u32 s8, $0xFFFFF086  }
0x1c: {  	p1 =	slt.u32 s9, $0xF7A;
	s5 =	simm.s32 @!p2 $0x0  }
0x1d: {  	s5 =	simm.s32 @p1 $0x1;
	p0 =	seq.s32 s7, s2  }
0x1e: {  	s7 =	smul.u32 @!p0 $0xF7A, s2;
	p2 =	seq.s32 @!p0 s5, $0x0  }
0x1f: {  	s9 =	smul.u32 $0xF7A, s1;
	s8 =	simm.s32 @!p0 $0x1BF5;
	p2 =	por !p2, p0  }
0x20: {  	[sflag:s8] =	ssyncset.s32 @!p0 $0xFFFFF086;
	s6 =	sadd.s32 @!p0 s3, s7;
	s7 =	simm.s32 @!p0 $0x108  }
0x21: {  	s3 =	sadd.s32 s3, s9;
	s6 =	sadd.s32 @!p0 $0x88, s6;
	s7 =	simm.s32 @p2 $0x1082  }
0x22: {  	[simem:s7], [sflag:s8] =	dma.local @!p0 [hbm:s6], $0xF7A  }
0x23: {  	s9 =	sor.u32 $0xD0000000, s2;
	s6 =	simm.s32 $0x108;
	_ =	swait.ge @!p0 [sflag:s8], $0x0  }
0x24: {  	s3 =	sadd.s32 $0x88, s3;
	s6 =	simm.s32 @!p1 $0x1082;
	[sflag:s4] =	ssyncset.s32 $0xFFFFF086  }
0x25: {  	[simem:s6], [sflag:s4] =	dma.local [hbm:s3], $0xF7A  }
0x26: {  	[smem:$0x3F9F] =	sst s1;
	(tag) =	ssettag s2;
	_ =	strace s9  }
0x27: {  	s1 =	sld [smem:$0x3FAF]  }
0x28: {  	s2 =	sld [smem:$0x3FB0]  }
0x29: {  	s4 =	sld [smem:$0x3FB2]  }
0x2a: {  	p0 =	seq.s32 s5, $0x0;
	s5 =	sld [smem:$0x3FB3]  }
0x2b: {  	s6 =	sld [smem:$0x3FB4]  }
0x2c: {  	s7 =	sld [smem:$0x3FB5]  }
0x2d: {  	s3 =	simm.s32 $0x108;
	s8 =	sld [smem:$0x3FB6]  }
0x2e: {  	s3 =	simm.s32 @!p0 $0x1082;
	s9 =	sld [smem:$0x3FB7]  }
0x2f: {  	lr =	sadd.s32 s0, s3;
	s0 =	sld [smem:$0x3FAE]  }
0x30: {  	s3 =	sld [smem:$0x3FB1]  }
0x31: {  	[smem:$0x3FBA] =	sst s10  }
0x32: {  	s10 =	sld [smem:$0x3FB8];
	_ =	sdelay $0x3  }
0x33: {  	p0 =	seq.s32 s10, $0x1;
	s10 =	sld [smem:$0x3FBA];
	_ =	sdelay $0x3  }
0x34: {  	[smem:$0x3FBA] =	sst s10  }
0x35: {  	s10 =	sld [smem:$0x3FB9];
	_ =	sdelay $0x3  }
0x36: {  	p1 =	seq.s32 s10, $0x1;
	s10 =	sld [smem:$0x3FBA];
	_ =	sdelay $0x3  }
0x37: {  	[smem:$0x3FBA] =	sst s10  }
0x38: {  	s10 =	sld [smem:$0x3FBB]  }
0x39: {  	_ = 	snop;
	(pc) =	sbr.ind lr, $3  }
0x3a: {  	_ = 	snop  }
0x3b: {  	_ = 	snop  }
0x3c: {  	p2 =	seq.s32 s10, $0x1;
	s10 =	sld [smem:$0x3FBA]  }
0x3d: {  	_ =	shalt  }
0x3e: {  	_ =	shalt  }
0x3f: {  	_ =	shalt  }
0x40: {  	_ =	shalt  }
0x41: {  	_ =	shalt  }
0x42: {  	_ =	shalt  }
0x43: {  	_ =	shalt  }
0x44: {  	_ =	shalt  }
0x45: {  	_ =	shalt  }
0x46: {  	_ =	shalt  }
0x47: {  	_ =	shalt  }
0x48: {  	_ =	shalt  }
0x49: {  	_ =	shalt  }
0x4a: {  	_ =	shalt  }
0x4b: {  	_ =	shalt  }
0x4c: {  	_ =	shalt  }
0x4d: {  	_ =	shalt  }
0x4e: {  	_ =	shalt  }
0x4f: {  	_ =	shalt  }
0x50: {  	_ =	shalt  }
0x51: {  	_ =	shalt  }
0x52: {  	_ =	shalt  }
0x53: {  	_ =	shalt  }
0x54: {  	_ =	shalt  }
0x55: {  	_ =	shalt  }
0x56: {  	_ =	shalt  }
0x57: {  	_ =	shalt  }
0x58: {  	_ =	shalt  }
0x59: {  	_ =	shalt  }
0x5a: {  	_ =	shalt  }
0x5b: {  	_ =	shalt  }
0x5c: {  	_ =	shalt  }
0x5d: {  	_ =	shalt  }
0x5e: {  	_ =	shalt  }
0x5f: {  	_ =	shalt  }
0x60: {  	_ =	shalt  }
0x61: {  	_ =	shalt  }
0x62: {  	_ =	shalt  }
0x63: {  	_ =	shalt  }
0x64: {  	_ =	shalt  }
0x65: {  	_ =	shalt  }
0x66: {  	_ =	shalt  }
0x67: {  	_ =	shalt  }
0x68: {  	_ =	shalt  }
0x69: {  	_ =	shalt  }
0x6a: {  	_ =	shalt  }
0x6b: {  	_ =	shalt  }
0x6c: {  	_ =	shalt  }
0x6d: {  	_ =	shalt  }
0x6e: {  	_ =	shalt  }
0x6f: {  	_ =	shalt  }
0x70: {  	_ =	shalt  }
0x71: {  	_ =	shalt  }
0x72: {  	_ =	shalt  }
0x73: {  	_ =	shalt  }
0x74: {  	_ =	shalt  }
0x75: {  	_ =	shalt  }
0x76: {  	_ =	shalt  }
0x77: {  	_ =	shalt  }
0x78: {  	_ =	shalt  }
0x79: {  	_ =	shalt  }
0x7a: {  	_ =	shalt  }
0x7b: {  	_ =	shalt  }
0x7c: {  	_ =	shalt  }
0x7d: {  	_ =	shalt  }
0x7e: {  	_ =	shalt  }
0x7f: {  	_ =	shalt  }
0x80: {  	_ =	shalt  }
0x81: {  	_ =	shalt  }
0x82: {  	_ =	shalt  }
0x83: {  	_ =	shalt  }
0x84: {  	_ =	shalt  }
0x85: {  	_ =	shalt  }
0x86: {  	_ =	shalt  }
0x87: {  	_ =	shalt  }
.Lfunc_end0:
.L_simem_size_0:
called_computation_lowered:
.L_overlay_start_0:
0x88: {  	s2 =	sld [smem:$0x3FD9]  }
0x89: {  	s3 =	sld [smem:$0x3FFE];
	_ =	sdelay $0x1  }
0x8a: {  	s1 =	srdreg.scid  }
0x8b: {  	s0 =	sand.u32 $0x1, s1  }
0x8c: {  	s15 =	sshll.u32 s0, $0xA;
	s2 =	sadd.s32 s3, s2  }
0x8d: {  	s2 =	sadd.s32 s2, s15  }
0x8e: {  	[smem:$0x3FC6] =	sst s2  }
0x8f: {  	_ = 	snop  }
0x90: {  	s2 =	sld [smem:$0x3FD0];
	_ =	sdelay $0x2  }
0x91: {  	s4 =	simm.s32 $0xA;
	s5 =	simm.s32 $0x10;
	s16 =	sld [smem:$0x3FC8]  }
0x92: {  	[smem:s5], [sflag:s4] =	dma.local [hbm:s2], $0x1  }
0x93: {  	_ =	swait.eq [sflag:s4], $0x1  }
0x94: {  	[sflag:s4] =	ssyncset.done $0x0  }
0x95: {  	s17 =	sld [smem:$0x10];
	[sflag:s4] =	ssyncadd.s32 $0xFFFFFFFF  }
0x96: {  	s18 =	sld [smem:$0x11];
	(tm) =	ssettm $0x1  }
0x97: {  	s19 =	sld [smem:$0x3FFB];
	_ =	sdelay $0x3  }
0x98: {  	_ =	strace s19  }
0x99: {  	s5 =	sld [smem:$0x3FFC];
	_ =	sdelay $0x3  }
0x9a: {  	_ =	strace s5  }
0x9b: {  	s5 =	sld [smem:$0x3FFD];
	_ =	sdelay $0x3  }
0x9c: {  	_ =	strace s5  }
0x9d: {  	_ =	strace $0x8FFFFFFF  }
0x9e: {  	s20 =	sld [smem:$0x3FDB];
	_ =	sdelay $0x1  }
0x9f: {  	s6 =	simm.s32 $_scs_section_size  }
0xa0: {  	s7 =	simm.s32 $_size__tile_overlayer_lowered;
	s8 =	simm.s32 $_tile_overlayer_lowered  }
0xa1: {  	s23 =	simm.s32 $0x1BFF;
	s22 =	sshll.u32 s8, $0x1;
	s5 =	sadd.s32 s6, s20  }
0xa2: {  	s9 =	simm.s32 $0x0;
	s21 =	sshll.u32 s7, $0x1;
	s7 =	sadd.s32 s22, s5  }
0xa3: {  	[timem:s9], [sflag:s23] =	dma.local [hbm:s7], s21  }
0xa4: {  	_ =	swait.ge [sflag:s23], s21  }
0xa5: {  	s6 =	ssub.s32 $0x0, s21;
	[sflag:s23] =	ssyncset.done $0x0  }
0xa6: {  	[sflag:s23] =	ssyncadd.s32 s6;
	_ =	sdelay $0x1  }
0xa7: {  	s24 =	simm.s32 $0x1B8B  }
0xa8: {  	_ =	swait.ge [sflag:s24], $0x1  }
0xa9: {  	[sflag:s24] =	ssyncset.done $0x0  }
0xaa: {  	s25 =	simm.s32 $0x1B8E;
	[sflag:s24] =	ssyncadd.s32 $0xFFFFFFFF  }
0xab: {  	s26 =	simm.s32 $execute0_lowered;
	[smem:$0x3FD2] =	sst s25  }
0xac: {  	s6 =	sshll.u32 s26, $0x1;
	_ =	strace $0x80000046;
	[dreg:$0x1] =	wrdreg $0xFFFFFFFF  }
0xad: {  	s28 =	simm.s32 $_size_execute0_lowered;
	s5 =	sadd.s32 s5, s6;
	[dreg:$0x0] =	wrdreg $0x0  }
0xae: {  	s6 =	sshll.u32 s28, $0x1;
	[dreg:$0x2] =	wrdreg s5  }
0xaf: {  	[dreg:$0x3] =	wrdreg s6  }
0xb0: {  	[dreg:$0x4] =	wrdreg $0xC0  }
0xb1: {  	_ =	task [dreg:s9], $0x5FFFF  }
0xb2: {  	[dreg:$0x1] =	wrdreg $0xFFFFFFFF  }
0xb3: {  	[dreg:$0x0] =	wrdreg $0x60  }
0xb4: {  	[dreg:$0x2] =	wrdreg s18  }
0xb5: {  	[dreg:$0x3] =	wrdreg s16  }
0xb6: {  	[dreg:$0x4] =	wrdreg s17  }
0xb7: {  	[dreg:$0x5] =	wrdreg $0x9  }
0xb8: {  	_ =	task.clear_ibuf [dreg:s9], $0x6FFFF;
	_ =	strace $0x90000046  }
0xb9: {  	s29 =	simm.s32 $0x9;
	_ =	strace $0x80000048  }
0xba: {  	_ =	swait.ge [sflag:s29], $0x1  }
0xbb: {  	[sflag:s29] =	ssyncadd.s32 $0xFFFFFFFF  }
0xbc: {  	_ =	strace $0x90000048  }
0xbd: {  	_ =	sfence  }
0xbe: {  	s30 =	sld [smem:$0x0];
	_ =	sdelay $0x2  }
0xbf: {  	s31 =	sshll.u32 s1, $0xD;
	s1 =	sshrl.u32 s1, $0x2  }
0xc0: {  	s3 =	sand.u32 $0x4000, s31;
	s1 =	sadd.s32 s1, s30  }
0xc1: {  	s0 =	sor.u32 s3, s0;
	s1 =	sshll.u32 s1, $0x11  }
0xc2: {  	s0 =	sor.u32 s1, s0  }
0xc3: {  	s0 =	sadd.s32 $0x8F2B, s0  }
0xc4: {  	[sflag:s0] =	ssyncadd.remote.s32 $0x1  }
0xc5: {  	_ =	sfence.sel $0xFFFF  }
0xc6: {  	[dreg:$0x0] =	wrdreg $0xFFFFFFFF;
	(pc) =	sbr.abs _section_cstart, $3  }
0xc7: {  	[dreg:$0x1] =	wrdreg $0xFFFFFFFF  }
0xc8: {  	_ =	task.clear_ibuf [dreg:s9], $0x2FFFF;
	_ =	strace $0x9FFFFFFF  }
0xc9: {  	(tm) =	ssettm $0x7FFFFFFF  }
tec
execute0_lowered:
.L_overlay_start_1:
0x0: {  	(tag) =	ssettag $0x1  }
0x1: {  	s6 =	rddreg [dreg:$0x0]  }
0x2: {  	s1 =	srdreg.scid;
	s2 =	rddreg [dreg:$0x1]  }
0x3: {  	s0 =	stileid.u32;
	s3 =	rddreg [dreg:$0x2]  }
0x4: {  	s4 =	simm.s32 $0x0;
	s11 =	simm.s32 $0xBE40;
	s12 =	simm.s32 $0x1  }
0x5: {  	s13 =	simm.s32 $0x3E40;
	s7 =	sand.u32 $0x1, s1;
	s30 =	sshll.u32 s0, $0x1  }
0x6: {  	s14 =	simm.s32 $0x2;
	s15 =	simm.s32 $0x0;
	s8 =	sor.u32 s7, s30  }
0x7: {  	s1 =	rddreg [dreg:$0x3];
	s7 =	ssub.s32 $0x2, s7;
	s5 =	smul.u32 $0x61A80, s8  }
0x8: {  	[smem:$0x7FF] =	sst s4;
	s8 =	smul.u32 $0x187, s8;
	s9 =	sshrl.u32 s7, $0x1  }
0x9: {  	_ =	strace $0x80000047;
	s9 =	ssub.s32 s7, s9;
	s10 =	sshrl.u32 s5, $0x3  }
0xa: {  	v0 =	vlaneseq.u32;
	s6 =	sadd.s32 s6, s8;
	s8 =	smax.u32 s9, $0x1;
	s31 =	sadd.s32 s3, s10  }
0xb: {  	v1 =	vimm.f32 $0.0e+00;
	v2 =	vmul.u32 $0x80, v0;
	s9 =	simm.s32 $0xC40;
	s10 =	simm.s32 $0x3;
	s7 =	sadd.s32 $0xC000, s31  }
.LBB2_1:
0xc: {  	[tilespmem:s9], [sflag:$0x3] =	stream.linear.gather [hbm4b:s2+s4], $0x3200, $0x38;
	[tilespmem:$0x13E40] =	vst v63  }
0xd: {  	_ =	swait.ge [sflag:s10], $0x3200  }
0xe: {  	[sflag:s10] =	ssyncset.done $0x0  }
0xf: {  	[sflag:s10] =	ssyncadd.s32 $0xFFFFCE00  }
0x10: {  	[tilespmem:s4], [sflag:$0x3] =	stream.linear.gather [hbm4b:s6+s4], $0xC35, $0x38;
	[tilespmem:$0x13E40] =	vst v63  }
0x11: {  	_ =	swait.ge [sflag:s10], $0xC35  }
0x12: {  	[sflag:s10] =	ssyncset.done $0x0  }
0x13: {  	[sflag:s10] =	ssyncadd.s32 $0xFFFFF3CB  }
0x14: {  	[tilespmem:$0xC40] =	vst v1  }
0x15: {  	[tilespmem:$0xC50] =	vst v1  }
0x16: {  	[tilespmem:$0xC60] =	vst v1  }
.Ltmp0:
0x17: {  	[tilespmem:$0xC70] =	vst v1;
	(pc) =	sbr.rel .LBB2_2-.Ltmp0, $4  }
0x18: {  	[tilespmem:$0xC80] =	vst v1  }
0x19: {  	[tilespmem:$0xC90] =	vst v1  }
0x1a: {  	[tilespmem:$0xCA0] =	vst v1  }
0x1b: {  	s16 =	simm.s32 $0x0;
	[tilespmem:$0xCB0] =	vst v1  }
.LBB2_13:
0x1c: {  	s16 =	sadd.s32 $0x1, s16  }
0x1d: {  	p0 =	sne.s32 s16, $0xC  }
.Ltmp1:
0x1e: {  	_ = 	snop;
	(pc) =	sbr.rel @!p0 .LBB2_14-.Ltmp1, $1  }
0x1f: {  	_ =	sdelay $0x3  }
.LBB2_2:
0x20: {  	s17 =	sand.u32 $0x1, s16  }
0x21: {  	p0 =	seq.s32 s17, $0x1  }
.Ltmp2:
0x22: {  	_ = 	snop;
	(pc) =	sbr.rel @p0 .LBB2_8-.Ltmp2, $1  }
0x23: {  	_ =	sdelay $0x3  }
0x24: {  	p0 =	slt.u32 s16, $0x2  }
0x25: {  	s18 =	simm.s32 @!p0 $0x1  }
0x26: {  	s19 =	sshll.u32 s16, $0x8;
	_ =	swait.ge @!p0 [sflag:s18], $0x8000  }
0x27: {  	s19 =	sand.u32 $0x3FFFFF00, s19;
	[sflag:s18] =	ssyncset.done @!p0 $0x0  }
0x28: {  	v3 =	vmov s19;
	s19 =	simm.s32 $0x0;
	[sflag:s18] =	ssyncadd.s32 @!p0 $0xFFFF8000;
	s18 =	simm.s32 $0x0  }
.LBB2_4:
0x29: {  	_ =	sdelay $0x2  }
0x2a: {  	s20 =	sshll.u32 s19, $0x4  }
0x2b: {  	v4 =	vld.idx.msk [tilespmem:v3+s20+$0x0 ss:$0x1], $0xffff;
	_ =	sdelay $0x4  }
0x2c: {  	vm0 =	vgt.s32 v4, $0x0  }
0x2d: {  	v4 =	vnsel vm0, $0x0, v4  }
0x2e: {  	v5 =	vadd.s32 s18, v0;
	v4 =	vmin.u32 v4, $0x63  }
0x2f: {  	v6 =	vand.u32 $0x8, v5;
	v4 =	vshll.u32 v4, $0x7  }
0x30: {  	v8 =	vand.u32 $0x7, v5;
	v7 =	vor.u32 v4, v6  }
0x31: {  	v7 =	vor.u32 v8, v7  }
0x32: {  	v9 =	vor.u32 $0x10, v7  }
0x33: {  	v10 =	vor.u32 $0x20, v7  }
0x34: {  	s29 =	simm.s32 $0x3;
	v5 =	vmov s20;
	v11 =	vor.u32 $0x30, v7  }
0x35: {  	v15 =	vadd.s32 s29, v0;
	v5 =	vshll.u32 v5, $0x7;
	v12 =	vor.u32 $0x40, v7  }
0x36: {  	v17 =	vand.u32 $0x8, v15;
	v5 =	vor.u32 v2, v5;
	v14 =	vor.u32 $0x50, v7;
	v13 =	vld.idx.msk [tilespmem:v7+s9+$0x0], $0xffff  }
0x37: {  	v15 =	vand.u32 $0x7, v15;
	v6 =	vor.u32 v5, v6;
	v16 =	vor.u32 $0x60, v7;
	v9 =	vld.idx.msk [tilespmem:v9+s9+$0x0], $0xffff  }
0x38: {  	v18 =	vor.u32 v4, v17;
	v6 =	vor.u32 v8, v6;
	v7 =	vor.u32 $0x70, v7;
	v10 =	vld.idx.msk [tilespmem:v10+s9+$0x0], $0xffff  }
0x39: {  	v8 =	vld.idx.msk [tilespmem:v11+s9+$0x0], $0xffff;
	v11 =	vor.u32 v15, v18;
	v18 =	vor.u32 $0x10, v6  }
0x3a: {  	v20 =	vor.u32 $0x20, v6;
	v12 =	vld.idx.msk [tilespmem:v12+s9+$0x0], $0xffff;
	v19 =	vor.u32 $0x10, v11  }
0x3b: {  	v22 =	vor.u32 $0x30, v6;
	v14 =	vld.idx.msk [tilespmem:v14+s9+$0x0], $0xffff;
	v21 =	vor.u32 $0x20, v11  }
0x3c: {  	v17 =	vor.u32 v5, v17;
	v24 =	vor.u32 $0x40, v6;
	v16 =	vld.idx.msk [tilespmem:v16+s9+$0x0], $0xffff;
	v23 =	vor.u32 $0x30, v11  }
0x3d: {  	s30 =	simm.s32 $0x2;
	v25 =	vor.u32 $0x50, v6;
	v15 =	vor.u32 v15, v17;
	v28 =	vor.u32 $0x50, v11;
	v7 =	vld.idx.msk [tilespmem:v7+s9+$0x0], $0xffff;
	[tilespmem:v6+s13+$0x0] =	vst.idx.msk $0xffff, v13  }
0x3e: {  	v26 =	vor.u32 $0x40, v11;
	v13 =	vor.u32 $0x60, v6;
	v27 =	vld.idx.msk [tilespmem:v11+s9+$0x0], $0xffff;
	[tilespmem:v18+s13+$0x0] =	vst.idx.msk $0xffff, v9;
	v9 =	vadd.s32 s30, v0  }
0x3f: {  	v6 =	vor.u32 $0x70, v6;
	v18 =	vld.idx.msk [tilespmem:v19+s9+$0x0], $0xffff;
	v19 =	vor.u32 $0x60, v11;
	[tilespmem:v20+s13+$0x0] =	vst.idx.msk $0xffff, v10;
	v10 =	vand.u32 $0x8, v9  }
0x40: {  	v17 =	vld.idx.msk [tilespmem:v21+s9+$0x0], $0xffff;
	v11 =	vor.u32 $0x70, v11;
	v9 =	vand.u32 $0x7, v9;
	[tilespmem:v22+s13+$0x0] =	vst.idx.msk $0xffff, v8;
	v8 =	vor.u32 v4, v10  }
0x41: {  	v20 =	vld.idx.msk [tilespmem:v23+s9+$0x0], $0xffff;
	[tilespmem:v24+s13+$0x0] =	vst.idx.msk $0xffff, v12;
	v21 =	vor.u32 v9, v8;
	v8 =	vor.u32 $0x10, v15  }
0x42: {  	v23 =	vld.idx.msk [tilespmem:v28+s9+$0x0], $0xffff;
	[tilespmem:v25+s13+$0x0] =	vst.idx.msk $0xffff, v14;
	v12 =	vor.u32 $0x10, v21;
	v14 =	vor.u32 $0x20, v15  }
0x43: {  	v22 =	vld.idx.msk [tilespmem:v26+s9+$0x0], $0xffff;
	v24 =	vor.u32 $0x30, v21;
	[tilespmem:v13+s13+$0x0] =	vst.idx.msk $0xffff, v16;
	v16 =	vor.u32 $0x30, v15  }
0x44: {  	v63 =	vor.u32 $0x50, v15;
	v25 =	vor.u32 $0x40, v15;
	v13 =	vor.u32 $0x20, v21;
	v19 =	vld.idx.msk [tilespmem:v19+s9+$0x0], $0xffff;
	[tilespmem:v6+s13+$0x0] =	vst.idx.msk $0xffff, v7  }
0x45: {  	s31 =	simm.s32 $0x1;
	v30 =	vor.u32 $0x70, v15;
	v29 =	vor.u32 $0x40, v21;
	v26 =	vld.idx.msk [tilespmem:v11+s9+$0x0], $0xffff;
	[tilespmem:v15+s13+$0x0] =	vst.idx.msk $0xffff, v27;
	v27 =	vor.u32 $0x60, v15  }
0x46: {  	v15 =	vor.u32 $0x50, v21;
	v7 =	vadd.s32 s31, v0;
	v6 =	vor.u32 v5, v10;
	v11 =	vld.idx.msk [tilespmem:v21+s9+$0x0], $0xffff;
	[tilespmem:v8+s13+$0x0] =	vst.idx.msk $0xffff, v18  }
0x47: {  	v6 =	vor.u32 v9, v6;
	v18 =	vor.u32 $0x60, v21;
	v8 =	vand.u32 $0x8, v7;
	v12 =	vld.idx.msk [tilespmem:v12+s9+$0x0], $0xffff;
	[tilespmem:v14+s13+$0x0] =	vst.idx.msk $0xffff, v17  }
0x48: {  	v7 =	vand.u32 $0x7, v7;
	v10 =	vor.u32 v4, v8;
	v9 =	vld.idx.msk [tilespmem:v24+s9+$0x0], $0xffff;
	v24 =	vor.u32 $0x70, v21;
	[tilespmem:v16+s13+$0x0] =	vst.idx.msk $0xffff, v20  }
0x49: {  	v13 =	vld.idx.msk [tilespmem:v13+s9+$0x0], $0xffff;
	v16 =	vor.u32 v7, v10;
	[tilespmem:v25+s13+$0x0] =	vst.idx.msk $0xffff, v22;
	v22 =	vor.u32 $0x10, v6  }
0x4a: {  	v21 =	vor.u32 $0x20, v6;
	v10 =	vld.idx.msk [tilespmem:v29+s9+$0x0], $0xffff;
	[tilespmem:v63+s13+$0x0] =	vst.idx.msk $0xffff, v23;
	v23 =	vor.u32 $0x10, v16  }
0x4b: {  	v20 =	vor.u32 $0x20, v16;
	v14 =	vld.idx.msk [tilespmem:v15+s9+$0x0], $0xffff;
	[tilespmem:v27+s13+$0x0] =	vst.idx.msk $0xffff, v19;
	v19 =	vor.u32 $0x30, v6  }
0x4c: {  	s20 =	simm.s32 $0x4;
	v17 =	vor.u32 $0x30, v16;
	v15 =	vld.idx.msk [tilespmem:v18+s9+$0x0], $0xffff;
	v18 =	vor.u32 $0x40, v6;
	[tilespmem:v30+s13+$0x0] =	vst.idx.msk $0xffff, v26  }
.LBB2_5:
0x4d: {  	p0 =	slt.u32 s20, $0xC;
	v25 =	vor.u32 $0x40, v16;
	v24 =	vld.idx.msk [tilespmem:v24+s9+$0x0], $0xffff;
	[tilespmem:v6+s13+$0x0] =	vst.idx.msk $0xffff, v11;
	v11 =	vor.u32 $0x50, v6  }
0x4e: {  	v26 =	vadd.s32 s20, v0;
	v28 =	vor.u32 $0x50, v16;
	v27 =	vld.idx.msk [tilespmem:v16+s9+$0x0], $0xffff;
	[tilespmem:v22+s13+$0x0] =	vst.idx.msk $0xffff, v12;
	v12 =	vor.u32 $0x60, v6  }
0x4f: {  	v8 =	vor.u32 v5, v8;
	v6 =	vor.u32 $0x70, v6;
	v22 =	vld.idx.msk [tilespmem:v23+s9+$0x0], $0xffff;
	v23 =	vor.u32 $0x60, v16;
	[tilespmem:v21+s13+$0x0] =	vst.idx.msk $0xffff, v13  }
0x50: {  	v7 =	vor.u32 v7, v8;
	v13 =	vand.u32 $0x8, v26;
	v16 =	vor.u32 $0x70, v16;
	v20 =	vld.idx.msk [tilespmem:v20+s9+$0x0], $0xffff;
	[tilespmem:v19+s13+$0x0] =	vst.idx.msk $0xffff, v9  }
0x51: {  	v8 =	vor.u32 v4, v13;
	v9 =	vand.u32 $0x7, v26;
	v19 =	vor.u32 $0x10, v7;
	v17 =	vld.idx.msk [tilespmem:v17+s9+$0x0], $0xffff;
	[tilespmem:v18+s13+$0x0] =	vst.idx.msk $0xffff, v10  }
0x52: {  	v8 =	vor.u32 v9, v8;
	v18 =	vor.u32 $0x20, v7;
	v10 =	vld.idx.msk [tilespmem:v25+s9+$0x0], $0xffff;
	[tilespmem:v11+s13+$0x0] =	vst.idx.msk $0xffff, v14  }
0x53: {  	v21 =	vor.u32 $0x30, v7;
	v11 =	vor.u32 $0x10, v8;
	v14 =	vld.idx.msk [tilespmem:v28+s9+$0x0], $0xffff;
	[tilespmem:v12+s13+$0x0] =	vst.idx.msk $0xffff, v15  }
0x54: {  	v12 =	vor.u32 $0x20, v8;
	v15 =	vld.idx.msk [tilespmem:v23+s9+$0x0], $0xffff;
	v23 =	vor.u32 $0x40, v7;
	[tilespmem:v6+s13+$0x0] =	vst.idx.msk $0xffff, v24  }
0x55: {  	v6 =	vor.u32 $0x30, v8;
	v24 =	vor.u32 $0x50, v7;
	v16 =	vld.idx.msk [tilespmem:v16+s9+$0x0], $0xffff;
	[tilespmem:v7+s13+$0x0] =	vst.idx.msk $0xffff, v27  }
0x56: {  	s21 =	sadd.s32 $0x3, s20;
	v13 =	vor.u32 v5, v13;
	v25 =	vor.u32 $0x40, v8;
	[tilespmem:v19+s13+$0x0] =	vst.idx.msk $0xffff, v22;
	v19 =	vor.u32 $0x60, v7  }
0x57: {  	v26 =	vor.u32 $0x50, v8;
	v27 =	vadd.s32 s21, v0;
	v7 =	vor.u32 $0x70, v7;
	v22 =	vld.idx.msk [tilespmem:v8+s9+$0x0], $0xffff;
	[tilespmem:v18+s13+$0x0] =	vst.idx.msk $0xffff, v20  }
0x58: {  	v9 =	vor.u32 v9, v13;
	v13 =	vand.u32 $0x8, v27;
	v18 =	vor.u32 $0x60, v8;
	v11 =	vld.idx.msk [tilespmem:v11+s9+$0x0], $0xffff;
	[tilespmem:v21+s13+$0x0] =	vst.idx.msk $0xffff, v17  }
0x59: {  	v8 =	vor.u32 $0x70, v8;
	v20 =	vand.u32 $0x7, v27;
	v17 =	vor.u32 v4, v13;
	v12 =	vld.idx.msk [tilespmem:v12+s9+$0x0], $0xffff;
	[tilespmem:v23+s13+$0x0] =	vst.idx.msk $0xffff, v10  }
0x5a: {  	v10 =	vor.u32 $0x10, v9;
	v17 =	vor.u32 v20, v17;
	v6 =	vld.idx.msk [tilespmem:v6+s9+$0x0], $0xffff;
	[tilespmem:v24+s13+$0x0] =	vst.idx.msk $0xffff, v14  }
0x5b: {  	v21 =	vor.u32 $0x20, v9;
	v23 =	vor.u32 $0x10, v17;
	v14 =	vld.idx.msk [tilespmem:v25+s9+$0x0], $0xffff;
	[tilespmem:v19+s13+$0x0] =	vst.idx.msk $0xffff, v15  }
0x5c: {  	v24 =	vor.u32 $0x20, v17;
	v19 =	vor.u32 $0x30, v9;
	v15 =	vld.idx.msk [tilespmem:v26+s9+$0x0], $0xffff;
	[tilespmem:v7+s13+$0x0] =	vst.idx.msk $0xffff, v16  }
0x5d: {  	v25 =	vor.u32 $0x30, v17;
	v16 =	vor.u32 $0x40, v9;
	v7 =	vld.idx.msk [tilespmem:v18+s9+$0x0], $0xffff;
	v18 =	vor.u32 $0x50, v9  }
0x5e: {  	s21 =	sadd.s32 $0x2, s20;
	v26 =	vor.u32 $0x40, v17;
	v8 =	vld.idx.msk [tilespmem:v8+s9+$0x0], $0xffff;
	[tilespmem:v9+s13+$0x0] =	vst.idx.msk $0xffff, v22;
	v22 =	vor.u32 $0x60, v9;
	v9 =	vor.u32 $0x70, v9  }
0x5f: {  	v27 =	vor.u32 $0x50, v17;
	[tilespmem:v10+s13+$0x0] =	vst.idx.msk $0xffff, v11;
	v10 =	vadd.s32 s21, v0;
	v11 =	vor.u32 v5, v13;
	v13 =	vld.idx.msk [tilespmem:v17+s9+$0x0], $0xffff  }
0x60: {  	[tilespmem:v21+s13+$0x0] =	vst.idx.msk $0xffff, v12;
	v12 =	vand.u32 $0x8, v10;
	v21 =	vld.idx.msk [tilespmem:v23+s9+$0x0], $0xffff;
	v23 =	vor.u32 $0x60, v17;
	v11 =	vor.u32 v20, v11  }
0x61: {  	v10 =	vand.u32 $0x7, v10;
	v17 =	vor.u32 $0x70, v17;
	[tilespmem:v19+s13+$0x0] =	vst.idx.msk $0xffff, v6;
	v6 =	vor.u32 v4, v12;
	v19 =	vld.idx.msk [tilespmem:v24+s9+$0x0], $0xffff  }
0x62: {  	[tilespmem:v16+s13+$0x0] =	vst.idx.msk $0xffff, v14;
	v14 =	vor.u32 v10, v6;
	v16 =	vld.idx.msk [tilespmem:v25+s9+$0x0], $0xffff;
	v6 =	vor.u32 $0x10, v11  }
0x63: {  	v20 =	vor.u32 $0x20, v11;
	[tilespmem:v18+s13+$0x0] =	vst.idx.msk $0xffff, v15;
	v15 =	vor.u32 $0x10, v14;
	v18 =	vld.idx.msk [tilespmem:v26+s9+$0x0], $0xffff  }
0x64: {  	v26 =	vor.u32 $0x30, v11;
	[tilespmem:v22+s13+$0x0] =	vst.idx.msk $0xffff, v7;
	v22 =	vor.u32 $0x20, v14;
	v25 =	vld.idx.msk [tilespmem:v27+s9+$0x0], $0xffff  }
0x65: {  	v28 =	vor.u32 $0x50, v11;
	[tilespmem:v9+s13+$0x0] =	vst.idx.msk $0xffff, v8;
	v9 =	vor.u32 $0x30, v14;
	v27 =	vld.idx.msk [tilespmem:v23+s9+$0x0], $0xffff;
	v23 =	vor.u32 $0x40, v11  }
0x66: {  	s21 =	sadd.s32 $0x1, s20;
	v31 =	vor.u32 $0x70, v11;
	v29 =	vor.u32 $0x40, v14;
	v30 =	vld.idx.msk [tilespmem:v17+s9+$0x0], $0xffff;
	[tilespmem:v11+s13+$0x0] =	vst.idx.msk $0xffff, v13;
	v17 =	vor.u32 $0x60, v11  }
0x67: {  	v32 =	vor.u32 $0x50, v14;
	v7 =	vadd.s32 s21, v0;
	v13 =	vor.u32 v5, v12;
	v11 =	vld.idx.msk [tilespmem:v14+s9+$0x0], $0xffff;
	[tilespmem:v6+s13+$0x0] =	vst.idx.msk $0xffff, v21  }
0x68: {  	v8 =	vand.u32 $0x8, v7;
	v6 =	vor.u32 v10, v13;
	v12 =	vld.idx.msk [tilespmem:v15+s9+$0x0], $0xffff;
	v15 =	vor.u32 $0x60, v14;
	[tilespmem:v20+s13+$0x0] =	vst.idx.msk $0xffff, v19  }
.Ltmp3:
0x69: {  	v24 =	vor.u32 $0x70, v14;
	v7 =	vand.u32 $0x7, v7;
	v10 =	vor.u32 v4, v8;
	v13 =	vld.idx.msk [tilespmem:v22+s9+$0x0], $0xffff;
	[tilespmem:v26+s13+$0x0] =	vst.idx.msk $0xffff, v16;
	(pc) =	sbr.rel @p0 .LBB2_5-.Ltmp3, $4  }
0x6a: {  	v16 =	vor.u32 v7, v10;
	v22 =	vor.u32 $0x10, v6;
	v9 =	vld.idx.msk [tilespmem:v9+s9+$0x0], $0xffff;
	[tilespmem:v23+s13+$0x0] =	vst.idx.msk $0xffff, v18  }
0x6b: {  	v21 =	vor.u32 $0x20, v6;
	v23 =	vor.u32 $0x10, v16;
	v10 =	vld.idx.msk [tilespmem:v29+s9+$0x0], $0xffff;
	[tilespmem:v28+s13+$0x0] =	vst.idx.msk $0xffff, v25  }
0x6c: {  	v19 =	vor.u32 $0x30, v6;
	v20 =	vor.u32 $0x20, v16;
	v14 =	vld.idx.msk [tilespmem:v32+s9+$0x0], $0xffff;
	[tilespmem:v17+s13+$0x0] =	vst.idx.msk $0xffff, v27  }
0x6d: {  	s20 =	sadd.s32 $0x4, s20;
	v18 =	vor.u32 $0x40, v6;
	v17 =	vor.u32 $0x30, v16;
	v15 =	vld.idx.msk [tilespmem:v15+s9+$0x0], $0xffff;
	[tilespmem:v31+s13+$0x0] =	vst.idx.msk $0xffff, v30  }
0x6e: {  	_ =	sdelay $0x3  }
0x6f: {  	v4 =	vor.u32 $0x40, v16;
	v24 =	vld.idx.msk [tilespmem:v24+s9+$0x0], $0xffff  }
0x70: {  	[tilespmem:v6+s13+$0x0] =	vst.idx.msk $0xffff, v11;
	v47 =	vor.u32 $0x50, v6;
	v25 =	vld.idx.msk [tilespmem:v16+s9+$0x0], $0xffff;
	v26 =	vor.u32 $0x50, v16  }
0x71: {  	v48 =	vor.u32 $0x60, v6;
	v49 =	vld.idx.msk [tilespmem:v23+s9+$0x0], $0xffff;
	v50 =	vor.u32 $0x60, v16;
	v5 =	vor.u32 v5, v8;
	[tilespmem:v22+s13+$0x0] =	vst.idx.msk $0xffff, v12  }
0x72: {  	v52 =	vld.idx.msk [tilespmem:v20+s9+$0x0], $0xffff;
	v53 =	vor.u32 $0x70, v16;
	v5 =	vor.u32 v7, v5;
	[tilespmem:v21+s13+$0x0] =	vst.idx.msk $0xffff, v13  }
0x73: {  	v51 =	vor.u32 $0x70, v6;
	v54 =	vld.idx.msk [tilespmem:v17+s9+$0x0], $0xffff;
	[tilespmem:v19+s13+$0x0] =	vst.idx.msk $0xffff, v9  }
0x74: {  	v55 =	vor.u32 $0x10, v5;
	[tilespmem:v18+s13+$0x0] =	vst.idx.msk $0xffff, v10;
	v4 =	vld.idx.msk [tilespmem:v4+s9+$0x0], $0xffff  }
0x75: {  	v56 =	vor.u32 $0x20, v5;
	[tilespmem:v47+s13+$0x0] =	vst.idx.msk $0xffff, v14;
	v57 =	vld.idx.msk [tilespmem:v26+s9+$0x0], $0xffff  }
0x76: {  	v58 =	vor.u32 $0x30, v5;
	v59 =	vld.idx.msk [tilespmem:v50+s9+$0x0], $0xffff;
	[tilespmem:v48+s13+$0x0] =	vst.idx.msk $0xffff, v15  }
0x77: {  	v60 =	vor.u32 $0x40, v5;
	v61 =	vld.idx.msk [tilespmem:v53+s9+$0x0], $0xffff;
	[tilespmem:v5+s13+$0x0] =	vst.idx.msk $0xffff, v25  }
0x78: {  	v62 =	vor.u32 $0x50, v5;
	[tilespmem:v51+s13+$0x0] =	vst.idx.msk $0xffff, v24  }
0x79: {  	s19 =	sadd.s32 $0x1, s19;
	v63 =	vor.u32 $0x60, v5;
	[tilespmem:v55+s13+$0x0] =	vst.idx.msk $0xffff, v49  }
0x7a: {  	p0 =	sne.s32 s19, $0x10;
	v5 =	vor.u32 $0x70, v5;
	[tilespmem:v56+s13+$0x0] =	vst.idx.msk $0xffff, v52  }
.Ltmp4:
0x7b: {  	[tilespmem:v58+s13+$0x0] =	vst.idx.msk $0xffff, v54;
	(pc) =	sbr.rel @p0 .LBB2_4-.Ltmp4, $4  }
0x7c: {  	[tilespmem:v60+s13+$0x0] =	vst.idx.msk $0xffff, v4  }
0x7d: {  	[tilespmem:v62+s13+$0x0] =	vst.idx.msk $0xffff, v57  }
0x7e: {  	[tilespmem:v63+s13+$0x0] =	vst.idx.msk $0xffff, v59  }
0x7f: {  	[tilespmem:v5+s13+$0x0] =	vst.idx.msk $0xffff, v61  }
0x80: {  	p0 =	seq.s32 s17, $0x0  }
.Ltmp5:
0x81: {  	s18 =	sshll.u32 s16, $0xF;
	(pc) =	sbr.rel @p0 .LBB2_13-.Ltmp5, $4  }
0x82: {  	s18 =	sadd.s32 s5, s18  }
0x83: {  	s18 =	sshrl.u32 s18, $0x3  }
0x84: {  	s18 =	sadd.s32 s3, s18  }
0x85: {  	[hbm4b:s18+s4] =	stream.linear.scatter [tilespmem:s13], [sflag:$0x1], $0x8000, $0x38;
	[tilespmem:$0x13E40] =	vst v63  }
.LBB2_8:
0x86: {  	p0 =	slt.u32 s16, $0x2  }
0x87: {  	s17 =	simm.s32 @!p0 $0x2  }
0x88: {  	s18 =	sshll.u32 s16, $0x8;
	_ =	swait.ge @!p0 [sflag:s17], $0x8000  }
0x89: {  	s18 =	sand.u32 $0x3FFFFF00, s18;
	[sflag:s17] =	ssyncset.done @!p0 $0x0  }
0x8a: {  	v3 =	vmov s18;
	s18 =	simm.s32 $0x0;
	[sflag:s17] =	ssyncadd.s32 @!p0 $0xFFFF8000;
	s17 =	simm.s32 $0x0  }
.LBB2_9:
0x8b: {  	_ =	sdelay $0x2  }
0x8c: {  	s19 =	sshll.u32 s18, $0x4  }
0x8d: {  	v4 =	vld.idx.msk [tilespmem:v3+s19+$0x0 ss:$0x1], $0xffff;
	_ =	sdelay $0x4  }
0x8e: {  	vm0 =	vgt.s32 v4, $0x0  }
0x8f: {  	v4 =	vnsel vm0, $0x0, v4  }
0x90: {  	v5 =	vadd.s32 s17, v0;
	v4 =	vmin.u32 v4, $0x63  }
0x91: {  	v6 =	vand.u32 $0x8, v5;
	v4 =	vshll.u32 v4, $0x7  }
0x92: {  	v8 =	vand.u32 $0x7, v5;
	v7 =	vor.u32 v4, v6  }
0x93: {  	v7 =	vor.u32 v8, v7  }
0x94: {  	v9 =	vor.u32 $0x10, v7  }
0x95: {  	v10 =	vor.u32 $0x20, v7  }
0x96: {  	s29 =	simm.s32 $0x3;
	v5 =	vmov s19;
	v11 =	vor.u32 $0x30, v7  }
0x97: {  	v15 =	vadd.s32 s29, v0;
	v5 =	vshll.u32 v5, $0x7;
	v12 =	vor.u32 $0x40, v7  }
0x98: {  	v17 =	vand.u32 $0x8, v15;
	v5 =	vor.u32 v2, v5;
	v14 =	vor.u32 $0x50, v7;
	v13 =	vld.idx.msk [tilespmem:v7+s9+$0x0], $0xffff  }
0x99: {  	v15 =	vand.u32 $0x7, v15;
	v6 =	vor.u32 v5, v6;
	v16 =	vor.u32 $0x60, v7;
	v9 =	vld.idx.msk [tilespmem:v9+s9+$0x0], $0xffff  }
0x9a: {  	v18 =	vor.u32 v4, v17;
	v6 =	vor.u32 v8, v6;
	v7 =	vor.u32 $0x70, v7;
	v10 =	vld.idx.msk [tilespmem:v10+s9+$0x0], $0xffff  }
0x9b: {  	v8 =	vld.idx.msk [tilespmem:v11+s9+$0x0], $0xffff;
	v11 =	vor.u32 v15, v18;
	v18 =	vor.u32 $0x10, v6  }
0x9c: {  	v20 =	vor.u32 $0x20, v6;
	v12 =	vld.idx.msk [tilespmem:v12+s9+$0x0], $0xffff;
	v19 =	vor.u32 $0x10, v11  }
0x9d: {  	v22 =	vor.u32 $0x30, v6;
	v14 =	vld.idx.msk [tilespmem:v14+s9+$0x0], $0xffff;
	v21 =	vor.u32 $0x20, v11  }
0x9e: {  	v17 =	vor.u32 v5, v17;
	v24 =	vor.u32 $0x40, v6;
	v16 =	vld.idx.msk [tilespmem:v16+s9+$0x0], $0xffff;
	v23 =	vor.u32 $0x30, v11  }
0x9f: {  	s30 =	simm.s32 $0x2;
	v25 =	vor.u32 $0x50, v6;
	v15 =	vor.u32 v15, v17;
	v28 =	vor.u32 $0x50, v11;
	v7 =	vld.idx.msk [tilespmem:v7+s9+$0x0], $0xffff;
	[tilespmem:v6+s11+$0x0] =	vst.idx.msk $0xffff, v13  }
0xa0: {  	v26 =	vor.u32 $0x40, v11;
	v13 =	vor.u32 $0x60, v6;
	v27 =	vld.idx.msk [tilespmem:v11+s9+$0x0], $0xffff;
	[tilespmem:v18+s11+$0x0] =	vst.idx.msk $0xffff, v9;
	v9 =	vadd.s32 s30, v0  }
0xa1: {  	v6 =	vor.u32 $0x70, v6;
	v18 =	vld.idx.msk [tilespmem:v19+s9+$0x0], $0xffff;
	v19 =	vor.u32 $0x60, v11;
	[tilespmem:v20+s11+$0x0] =	vst.idx.msk $0xffff, v10;
	v10 =	vand.u32 $0x8, v9  }
0xa2: {  	v17 =	vld.idx.msk [tilespmem:v21+s9+$0x0], $0xffff;
	v11 =	vor.u32 $0x70, v11;
	v9 =	vand.u32 $0x7, v9;
	[tilespmem:v22+s11+$0x0] =	vst.idx.msk $0xffff, v8;
	v8 =	vor.u32 v4, v10  }
0xa3: {  	v20 =	vld.idx.msk [tilespmem:v23+s9+$0x0], $0xffff;
	[tilespmem:v24+s11+$0x0] =	vst.idx.msk $0xffff, v12;
	v21 =	vor.u32 v9, v8;
	v8 =	vor.u32 $0x10, v15  }
0xa4: {  	v23 =	vld.idx.msk [tilespmem:v28+s9+$0x0], $0xffff;
	[tilespmem:v25+s11+$0x0] =	vst.idx.msk $0xffff, v14;
	v12 =	vor.u32 $0x10, v21;
	v14 =	vor.u32 $0x20, v15  }
0xa5: {  	v22 =	vld.idx.msk [tilespmem:v26+s9+$0x0], $0xffff;
	v24 =	vor.u32 $0x30, v21;
	[tilespmem:v13+s11+$0x0] =	vst.idx.msk $0xffff, v16;
	v16 =	vor.u32 $0x30, v15  }
0xa6: {  	v63 =	vor.u32 $0x50, v15;
	v25 =	vor.u32 $0x40, v15;
	v13 =	vor.u32 $0x20, v21;
	v19 =	vld.idx.msk [tilespmem:v19+s9+$0x0], $0xffff;
	[tilespmem:v6+s11+$0x0] =	vst.idx.msk $0xffff, v7  }
0xa7: {  	s31 =	simm.s32 $0x1;
	v30 =	vor.u32 $0x70, v15;
	v29 =	vor.u32 $0x40, v21;
	v26 =	vld.idx.msk [tilespmem:v11+s9+$0x0], $0xffff;
	[tilespmem:v15+s11+$0x0] =	vst.idx.msk $0xffff, v27;
	v27 =	vor.u32 $0x60, v15  }
0xa8: {  	v15 =	vor.u32 $0x50, v21;
	v7 =	vadd.s32 s31, v0;
	v6 =	vor.u32 v5, v10;
	v11 =	vld.idx.msk [tilespmem:v21+s9+$0x0], $0xffff;
	[tilespmem:v8+s11+$0x0] =	vst.idx.msk $0xffff, v18  }
0xa9: {  	v6 =	vor.u32 v9, v6;
	v18 =	vor.u32 $0x60, v21;
	v8 =	vand.u32 $0x8, v7;
	v12 =	vld.idx.msk [tilespmem:v12+s9+$0x0], $0xffff;
	[tilespmem:v14+s11+$0x0] =	vst.idx.msk $0xffff, v17  }
0xaa: {  	v7 =	vand.u32 $0x7, v7;
	v10 =	vor.u32 v4, v8;
	v9 =	vld.idx.msk [tilespmem:v24+s9+$0x0], $0xffff;
	v24 =	vor.u32 $0x70, v21;
	[tilespmem:v16+s11+$0x0] =	vst.idx.msk $0xffff, v20  }
0xab: {  	v13 =	vld.idx.msk [tilespmem:v13+s9+$0x0], $0xffff;
	v16 =	vor.u32 v7, v10;
	[tilespmem:v25+s11+$0x0] =	vst.idx.msk $0xffff, v22;
	v22 =	vor.u32 $0x10, v6  }
0xac: {  	v21 =	vor.u32 $0x20, v6;
	v10 =	vld.idx.msk [tilespmem:v29+s9+$0x0], $0xffff;
	[tilespmem:v63+s11+$0x0] =	vst.idx.msk $0xffff, v23;
	v23 =	vor.u32 $0x10, v16  }
0xad: {  	v20 =	vor.u32 $0x20, v16;
	v14 =	vld.idx.msk [tilespmem:v15+s9+$0x0], $0xffff;
	[tilespmem:v27+s11+$0x0] =	vst.idx.msk $0xffff, v19;
	v19 =	vor.u32 $0x30, v6  }
0xae: {  	s19 =	simm.s32 $0x4;
	v17 =	vor.u32 $0x30, v16;
	v15 =	vld.idx.msk [tilespmem:v18+s9+$0x0], $0xffff;
	v18 =	vor.u32 $0x40, v6;
	[tilespmem:v30+s11+$0x0] =	vst.idx.msk $0xffff, v26  }
.LBB2_10:
0xaf: {  	p0 =	slt.u32 s19, $0xC;
	v25 =	vor.u32 $0x40, v16;
	v24 =	vld.idx.msk [tilespmem:v24+s9+$0x0], $0xffff;
	[tilespmem:v6+s11+$0x0] =	vst.idx.msk $0xffff, v11;
	v11 =	vor.u32 $0x50, v6  }
0xb0: {  	v26 =	vadd.s32 s19, v0;
	v28 =	vor.u32 $0x50, v16;
	v27 =	vld.idx.msk [tilespmem:v16+s9+$0x0], $0xffff;
	[tilespmem:v22+s11+$0x0] =	vst.idx.msk $0xffff, v12;
	v12 =	vor.u32 $0x60, v6  }
0xb1: {  	v8 =	vor.u32 v5, v8;
	v6 =	vor.u32 $0x70, v6;
	v22 =	vld.idx.msk [tilespmem:v23+s9+$0x0], $0xffff;
	v23 =	vor.u32 $0x60, v16;
	[tilespmem:v21+s11+$0x0] =	vst.idx.msk $0xffff, v13  }
0xb2: {  	v7 =	vor.u32 v7, v8;
	v13 =	vand.u32 $0x8, v26;
	v16 =	vor.u32 $0x70, v16;
	v20 =	vld.idx.msk [tilespmem:v20+s9+$0x0], $0xffff;
	[tilespmem:v19+s11+$0x0] =	vst.idx.msk $0xffff, v9  }
0xb3: {  	v8 =	vor.u32 v4, v13;
	v9 =	vand.u32 $0x7, v26;
	v19 =	vor.u32 $0x10, v7;
	v17 =	vld.idx.msk [tilespmem:v17+s9+$0x0], $0xffff;
	[tilespmem:v18+s11+$0x0] =	vst.idx.msk $0xffff, v10  }
0xb4: {  	v8 =	vor.u32 v9, v8;
	v18 =	vor.u32 $0x20, v7;
	v10 =	vld.idx.msk [tilespmem:v25+s9+$0x0], $0xffff;
	[tilespmem:v11+s11+$0x0] =	vst.idx.msk $0xffff, v14  }
0xb5: {  	v21 =	vor.u32 $0x30, v7;
	v11 =	vor.u32 $0x10, v8;
	v14 =	vld.idx.msk [tilespmem:v28+s9+$0x0], $0xffff;
	[tilespmem:v12+s11+$0x0] =	vst.idx.msk $0xffff, v15  }
0xb6: {  	v12 =	vor.u32 $0x20, v8;
	v15 =	vld.idx.msk [tilespmem:v23+s9+$0x0], $0xffff;
	v23 =	vor.u32 $0x40, v7;
	[tilespmem:v6+s11+$0x0] =	vst.idx.msk $0xffff, v24  }
0xb7: {  	v6 =	vor.u32 $0x30, v8;
	v24 =	vor.u32 $0x50, v7;
	v16 =	vld.idx.msk [tilespmem:v16+s9+$0x0], $0xffff;
	[tilespmem:v7+s11+$0x0] =	vst.idx.msk $0xffff, v27  }
0xb8: {  	s20 =	sadd.s32 $0x3, s19;
	v13 =	vor.u32 v5, v13;
	v25 =	vor.u32 $0x40, v8;
	[tilespmem:v19+s11+$0x0] =	vst.idx.msk $0xffff, v22;
	v19 =	vor.u32 $0x60, v7  }
0xb9: {  	v26 =	vor.u32 $0x50, v8;
	v27 =	vadd.s32 s20, v0;
	v7 =	vor.u32 $0x70, v7;
	v22 =	vld.idx.msk [tilespmem:v8+s9+$0x0], $0xffff;
	[tilespmem:v18+s11+$0x0] =	vst.idx.msk $0xffff, v20  }
0xba: {  	v9 =	vor.u32 v9, v13;
	v13 =	vand.u32 $0x8, v27;
	v18 =	vor.u32 $0x60, v8;
	v11 =	vld.idx.msk [tilespmem:v11+s9+$0x0], $0xffff;
	[tilespmem:v21+s11+$0x0] =	vst.idx.msk $0xffff, v17  }
0xbb: {  	v8 =	vor.u32 $0x70, v8;
	v20 =	vand.u32 $0x7, v27;
	v17 =	vor.u32 v4, v13;
	v12 =	vld.idx.msk [tilespmem:v12+s9+$0x0], $0xffff;
	[tilespmem:v23+s11+$0x0] =	vst.idx.msk $0xffff, v10  }
0xbc: {  	v10 =	vor.u32 $0x10, v9;
	v17 =	vor.u32 v20, v17;
	v6 =	vld.idx.msk [tilespmem:v6+s9+$0x0], $0xffff;
	[tilespmem:v24+s11+$0x0] =	vst.idx.msk $0xffff, v14  }
0xbd: {  	v21 =	vor.u32 $0x20, v9;
	v23 =	vor.u32 $0x10, v17;
	v14 =	vld.idx.msk [tilespmem:v25+s9+$0x0], $0xffff;
	[tilespmem:v19+s11+$0x0] =	vst.idx.msk $0xffff, v15  }
0xbe: {  	v24 =	vor.u32 $0x20, v17;
	v19 =	vor.u32 $0x30, v9;
	v15 =	vld.idx.msk [tilespmem:v26+s9+$0x0], $0xffff;
	[tilespmem:v7+s11+$0x0] =	vst.idx.msk $0xffff, v16  }
0xbf: {  	v25 =	vor.u32 $0x30, v17;
	v16 =	vor.u32 $0x40, v9;
	v7 =	vld.idx.msk [tilespmem:v18+s9+$0x0], $0xffff;
	v18 =	vor.u32 $0x50, v9  }
0xc0: {  	s20 =	sadd.s32 $0x2, s19;
	v26 =	vor.u32 $0x40, v17;
	v8 =	vld.idx.msk [tilespmem:v8+s9+$0x0], $0xffff;
	[tilespmem:v9+s11+$0x0] =	vst.idx.msk $0xffff, v22;
	v22 =	vor.u32 $0x60, v9;
	v9 =	vor.u32 $0x70, v9  }
0xc1: {  	v27 =	vor.u32 $0x50, v17;
	[tilespmem:v10+s11+$0x0] =	vst.idx.msk $0xffff, v11;
	v10 =	vadd.s32 s20, v0;
	v11 =	vor.u32 v5, v13;
	v13 =	vld.idx.msk [tilespmem:v17+s9+$0x0], $0xffff  }
0xc2: {  	[tilespmem:v21+s11+$0x0] =	vst.idx.msk $0xffff, v12;
	v12 =	vand.u32 $0x8, v10;
	v21 =	vld.idx.msk [tilespmem:v23+s9+$0x0], $0xffff;
	v23 =	vor.u32 $0x60, v17;
	v11 =	vor.u32 v20, v11  }
0xc3: {  	v10 =	vand.u32 $0x7, v10;
	v17 =	vor.u32 $0x70, v17;
	[tilespmem:v19+s11+$0x0] =	vst.idx.msk $0xffff, v6;
	v6 =	vor.u32 v4, v12;
	v19 =	vld.idx.msk [tilespmem:v24+s9+$0x0], $0xffff  }
0xc4: {  	[tilespmem:v16+s11+$0x0] =	vst.idx.msk $0xffff, v14;
	v14 =	vor.u32 v10, v6;
	v16 =	vld.idx.msk [tilespmem:v25+s9+$0x0], $0xffff;
	v6 =	vor.u32 $0x10, v11  }
0xc5: {  	v20 =	vor.u32 $0x20, v11;
	[tilespmem:v18+s11+$0x0] =	vst.idx.msk $0xffff, v15;
	v15 =	vor.u32 $0x10, v14;
	v18 =	vld.idx.msk [tilespmem:v26+s9+$0x0], $0xffff  }
0xc6: {  	v26 =	vor.u32 $0x30, v11;
	[tilespmem:v22+s11+$0x0] =	vst.idx.msk $0xffff, v7;
	v22 =	vor.u32 $0x20, v14;
	v25 =	vld.idx.msk [tilespmem:v27+s9+$0x0], $0xffff  }
0xc7: {  	v28 =	vor.u32 $0x50, v11;
	[tilespmem:v9+s11+$0x0] =	vst.idx.msk $0xffff, v8;
	v9 =	vor.u32 $0x30, v14;
	v27 =	vld.idx.msk [tilespmem:v23+s9+$0x0], $0xffff;
	v23 =	vor.u32 $0x40, v11  }
0xc8: {  	s20 =	sadd.s32 $0x1, s19;
	v31 =	vor.u32 $0x70, v11;
	v29 =	vor.u32 $0x40, v14;
	v30 =	vld.idx.msk [tilespmem:v17+s9+$0x0], $0xffff;
	[tilespmem:v11+s11+$0x0] =	vst.idx.msk $0xffff, v13;
	v17 =	vor.u32 $0x60, v11  }
0xc9: {  	v32 =	vor.u32 $0x50, v14;
	v7 =	vadd.s32 s20, v0;
	v13 =	vor.u32 v5, v12;
	v11 =	vld.idx.msk [tilespmem:v14+s9+$0x0], $0xffff;
	[tilespmem:v6+s11+$0x0] =	vst.idx.msk $0xffff, v21  }
0xca: {  	v8 =	vand.u32 $0x8, v7;
	v6 =	vor.u32 v10, v13;
	v12 =	vld.idx.msk [tilespmem:v15+s9+$0x0], $0xffff;
	v15 =	vor.u32 $0x60, v14;
	[tilespmem:v20+s11+$0x0] =	vst.idx.msk $0xffff, v19  }
.Ltmp6:
0xcb: {  	v24 =	vor.u32 $0x70, v14;
	v7 =	vand.u32 $0x7, v7;
	v10 =	vor.u32 v4, v8;
	v13 =	vld.idx.msk [tilespmem:v22+s9+$0x0], $0xffff;
	[tilespmem:v26+s11+$0x0] =	vst.idx.msk $0xffff, v16;
	(pc) =	sbr.rel @p0 .LBB2_10-.Ltmp6, $4  }
0xcc: {  	v16 =	vor.u32 v7, v10;
	v22 =	vor.u32 $0x10, v6;
	v9 =	vld.idx.msk [tilespmem:v9+s9+$0x0], $0xffff;
	[tilespmem:v23+s11+$0x0] =	vst.idx.msk $0xffff, v18  }
0xcd: {  	v21 =	vor.u32 $0x20, v6;
	v23 =	vor.u32 $0x10, v16;
	v10 =	vld.idx.msk [tilespmem:v29+s9+$0x0], $0xffff;
	[tilespmem:v28+s11+$0x0] =	vst.idx.msk $0xffff, v25  }
0xce: {  	v19 =	vor.u32 $0x30, v6;
	v20 =	vor.u32 $0x20, v16;
	v14 =	vld.idx.msk [tilespmem:v32+s9+$0x0], $0xffff;
	[tilespmem:v17+s11+$0x0] =	vst.idx.msk $0xffff, v27  }
0xcf: {  	s19 =	sadd.s32 $0x4, s19;
	v18 =	vor.u32 $0x40, v6;
	v17 =	vor.u32 $0x30, v16;
	v15 =	vld.idx.msk [tilespmem:v15+s9+$0x0], $0xffff;
	[tilespmem:v31+s11+$0x0] =	vst.idx.msk $0xffff, v30  }
0xd0: {  	_ =	sdelay $0x3  }
0xd1: {  	v4 =	vor.u32 $0x40, v16;
	v24 =	vld.idx.msk [tilespmem:v24+s9+$0x0], $0xffff  }
0xd2: {  	[tilespmem:v6+s11+$0x0] =	vst.idx.msk $0xffff, v11;
	v47 =	vor.u32 $0x50, v6;
	v25 =	vld.idx.msk [tilespmem:v16+s9+$0x0], $0xffff;
	v26 =	vor.u32 $0x50, v16  }
0xd3: {  	v48 =	vor.u32 $0x60, v6;
	v49 =	vld.idx.msk [tilespmem:v23+s9+$0x0], $0xffff;
	v50 =	vor.u32 $0x60, v16;
	v5 =	vor.u32 v5, v8;
	[tilespmem:v22+s11+$0x0] =	vst.idx.msk $0xffff, v12  }
0xd4: {  	v52 =	vld.idx.msk [tilespmem:v20+s9+$0x0], $0xffff;
	v53 =	vor.u32 $0x70, v16;
	v5 =	vor.u32 v7, v5;
	[tilespmem:v21+s11+$0x0] =	vst.idx.msk $0xffff, v13  }
0xd5: {  	v51 =	vor.u32 $0x70, v6;
	v54 =	vld.idx.msk [tilespmem:v17+s9+$0x0], $0xffff;
	[tilespmem:v19+s11+$0x0] =	vst.idx.msk $0xffff, v9  }
0xd6: {  	v55 =	vor.u32 $0x10, v5;
	[tilespmem:v18+s11+$0x0] =	vst.idx.msk $0xffff, v10;
	v4 =	vld.idx.msk [tilespmem:v4+s9+$0x0], $0xffff  }
0xd7: {  	v56 =	vor.u32 $0x20, v5;
	[tilespmem:v47+s11+$0x0] =	vst.idx.msk $0xffff, v14;
	v57 =	vld.idx.msk [tilespmem:v26+s9+$0x0], $0xffff  }
0xd8: {  	v58 =	vor.u32 $0x30, v5;
	v59 =	vld.idx.msk [tilespmem:v50+s9+$0x0], $0xffff;
	[tilespmem:v48+s11+$0x0] =	vst.idx.msk $0xffff, v15  }
0xd9: {  	v60 =	vor.u32 $0x40, v5;
	v61 =	vld.idx.msk [tilespmem:v53+s9+$0x0], $0xffff;
	[tilespmem:v5+s11+$0x0] =	vst.idx.msk $0xffff, v25  }
0xda: {  	v62 =	vor.u32 $0x50, v5;
	[tilespmem:v51+s11+$0x0] =	vst.idx.msk $0xffff, v24  }
0xdb: {  	s18 =	sadd.s32 $0x1, s18;
	v63 =	vor.u32 $0x60, v5;
	[tilespmem:v55+s11+$0x0] =	vst.idx.msk $0xffff, v49  }
0xdc: {  	p0 =	sne.s32 s18, $0x10;
	v5 =	vor.u32 $0x70, v5;
	[tilespmem:v56+s11+$0x0] =	vst.idx.msk $0xffff, v52  }
.Ltmp7:
0xdd: {  	[tilespmem:v58+s11+$0x0] =	vst.idx.msk $0xffff, v54;
	(pc) =	sbr.rel @p0 .LBB2_9-.Ltmp7, $4  }
0xde: {  	[tilespmem:v60+s11+$0x0] =	vst.idx.msk $0xffff, v4  }
0xdf: {  	[tilespmem:v62+s11+$0x0] =	vst.idx.msk $0xffff, v57  }
0xe0: {  	[tilespmem:v63+s11+$0x0] =	vst.idx.msk $0xffff, v59  }
0xe1: {  	[tilespmem:v5+s11+$0x0] =	vst.idx.msk $0xffff, v61  }
.Ltmp8:
0xe2: {  	s17 =	sshll.u32 s16, $0xF;
	(pc) =	sbr.rel .LBB2_13-.Ltmp8, $4  }
0xe3: {  	s17 =	sadd.s32 s5, s17  }
0xe4: {  	s17 =	sshrl.u32 s17, $0x3  }
0xe5: {  	s17 =	sadd.s32 s3, s17  }
0xe6: {  	[hbm4b:s17+s4] =	stream.linear.scatter [tilespmem:s11], [sflag:$0x2], $0x8000, $0x38;
	[tilespmem:$0x13E40] =	vst v63  }
.LBB2_14:
0xe7: {  	_ =	swait.ge [sflag:s12], $0x8000  }
0xe8: {  	[sflag:s12] =	ssyncset.done $0x0  }
0xe9: {  	s16 =	simm.s32 $0x0;
	s17 =	simm.s32 $0x0;
	[sflag:s12] =	ssyncadd.s32 $0xFFFF8000  }
.LBB2_15:
0xea: {  	s18 =	sshll.u32 s17, $0x4  }
0xeb: {  	v3 =	vld [tilespmem:s18+$0xC00];
	_ =	sdelay $0x4  }
0xec: {  	vm0 =	vgt.s32 v3, $0x0  }
0xed: {  	v3 =	vnsel vm0, $0x0, v3  }
0xee: {  	v4 =	vadd.s32 s16, v0;
	v3 =	vmin.u32 v3, $0x63  }
0xef: {  	v5 =	vand.u32 $0x8, v4;
	v3 =	vshll.u32 v3, $0x7  }
0xf0: {  	v7 =	vand.u32 $0x7, v4;
	v6 =	vor.u32 v3, v5  }
0xf1: {  	v6 =	vor.u32 v7, v6  }
0xf2: {  	v8 =	vor.u32 $0x10, v6  }
0xf3: {  	v9 =	vor.u32 $0x20, v6  }
0xf4: {  	s29 =	simm.s32 $0x3;
	v4 =	vmov s18;
	v10 =	vor.u32 $0x30, v6  }
0xf5: {  	v14 =	vadd.s32 s29, v0;
	v4 =	vshll.u32 v4, $0x7;
	v11 =	vor.u32 $0x40, v6  }
0xf6: {  	v16 =	vand.u32 $0x8, v14;
	v4 =	vor.u32 v2, v4;
	v13 =	vor.u32 $0x50, v6;
	v12 =	vld.idx.msk [tilespmem:v6+s9+$0x0], $0xffff  }
0xf7: {  	v14 =	vand.u32 $0x7, v14;
	v5 =	vor.u32 v4, v5;
	v15 =	vor.u32 $0x60, v6;
	v8 =	vld.idx.msk [tilespmem:v8+s9+$0x0], $0xffff  }
0xf8: {  	v17 =	vor.u32 v3, v16;
	v5 =	vor.u32 v7, v5;
	v6 =	vor.u32 $0x70, v6;
	v9 =	vld.idx.msk [tilespmem:v9+s9+$0x0], $0xffff  }
0xf9: {  	v7 =	vld.idx.msk [tilespmem:v10+s9+$0x0], $0xffff;
	v10 =	vor.u32 v14, v17;
	v17 =	vor.u32 $0x10, v5  }
0xfa: {  	v19 =	vor.u32 $0x20, v5;
	v11 =	vld.idx.msk [tilespmem:v11+s9+$0x0], $0xffff;
	v18 =	vor.u32 $0x10, v10  }
0xfb: {  	v21 =	vor.u32 $0x30, v5;
	v13 =	vld.idx.msk [tilespmem:v13+s9+$0x0], $0xffff;
	v20 =	vor.u32 $0x20, v10  }
0xfc: {  	v16 =	vor.u32 v4, v16;
	v23 =	vor.u32 $0x40, v5;
	v15 =	vld.idx.msk [tilespmem:v15+s9+$0x0], $0xffff;
	v22 =	vor.u32 $0x30, v10  }
0xfd: {  	s30 =	simm.s32 $0x2;
	v24 =	vor.u32 $0x50, v5;
	v14 =	vor.u32 v14, v16;
	v27 =	vor.u32 $0x50, v10;
	v6 =	vld.idx.msk [tilespmem:v6+s9+$0x0], $0xffff;
	[tilespmem:v5+s13+$0x0] =	vst.idx.msk $0xffff, v12  }
0xfe: {  	v25 =	vor.u32 $0x40, v10;
	v12 =	vor.u32 $0x60, v5;
	v26 =	vld.idx.msk [tilespmem:v10+s9+$0x0], $0xffff;
	[tilespmem:v17+s13+$0x0] =	vst.idx.msk $0xffff, v8;
	v8 =	vadd.s32 s30, v0  }
0xff: {  	v5 =	vor.u32 $0x70, v5;
	v17 =	vld.idx.msk [tilespmem:v18+s9+$0x0], $0xffff;
	v18 =	vor.u32 $0x60, v10;
	[tilespmem:v19+s13+$0x0] =	vst.idx.msk $0xffff, v9;
	v9 =	vand.u32 $0x8, v8  }
0x100: {  	v16 =	vld.idx.msk [tilespmem:v20+s9+$0x0], $0xffff;
	v10 =	vor.u32 $0x70, v10;
	v8 =	vand.u32 $0x7, v8;
	[tilespmem:v21+s13+$0x0] =	vst.idx.msk $0xffff, v7;
	v7 =	vor.u32 v3, v9  }
0x101: {  	v19 =	vld.idx.msk [tilespmem:v22+s9+$0x0], $0xffff;
	[tilespmem:v23+s13+$0x0] =	vst.idx.msk $0xffff, v11;
	v20 =	vor.u32 v8, v7;
	v7 =	vor.u32 $0x10, v14  }
0x102: {  	v22 =	vld.idx.msk [tilespmem:v27+s9+$0x0], $0xffff;
	[tilespmem:v24+s13+$0x0] =	vst.idx.msk $0xffff, v13;
	v11 =	vor.u32 $0x10, v20;
	v13 =	vor.u32 $0x20, v14  }
0x103: {  	v21 =	vld.idx.msk [tilespmem:v25+s9+$0x0], $0xffff;
	v23 =	vor.u32 $0x30, v20;
	[tilespmem:v12+s13+$0x0] =	vst.idx.msk $0xffff, v15;
	v15 =	vor.u32 $0x30, v14  }
0x104: {  	v60 =	vor.u32 $0x40, v14;
	v62 =	vor.u32 $0x50, v14;
	v12 =	vor.u32 $0x20, v20;
	v18 =	vld.idx.msk [tilespmem:v18+s9+$0x0], $0xffff;
	[tilespmem:v5+s13+$0x0] =	vst.idx.msk $0xffff, v6  }
0x105: {  	s31 =	simm.s32 $0x1;
	v63 =	vor.u32 $0x60, v14;
	v29 =	vor.u32 $0x70, v14;
	v28 =	vor.u32 $0x40, v20;
	v61 =	vld.idx.msk [tilespmem:v10+s9+$0x0], $0xffff;
	[tilespmem:v14+s13+$0x0] =	vst.idx.msk $0xffff, v26  }
0x106: {  	v14 =	vor.u32 $0x50, v20;
	v6 =	vadd.s32 s31, v0;
	v5 =	vor.u32 v4, v9;
	v10 =	vld.idx.msk [tilespmem:v20+s9+$0x0], $0xffff;
	[tilespmem:v7+s13+$0x0] =	vst.idx.msk $0xffff, v17  }
0x107: {  	v5 =	vor.u32 v8, v5;
	v17 =	vor.u32 $0x60, v20;
	v7 =	vand.u32 $0x8, v6;
	v11 =	vld.idx.msk [tilespmem:v11+s9+$0x0], $0xffff;
	[tilespmem:v13+s13+$0x0] =	vst.idx.msk $0xffff, v16  }
0x108: {  	v6 =	vand.u32 $0x7, v6;
	v9 =	vor.u32 v3, v7;
	v8 =	vld.idx.msk [tilespmem:v23+s9+$0x0], $0xffff;
	v23 =	vor.u32 $0x70, v20;
	[tilespmem:v15+s13+$0x0] =	vst.idx.msk $0xffff, v19  }
0x109: {  	v12 =	vld.idx.msk [tilespmem:v12+s9+$0x0], $0xffff;
	v15 =	vor.u32 v6, v9;
	[tilespmem:v60+s13+$0x0] =	vst.idx.msk $0xffff, v21;
	v21 =	vor.u32 $0x10, v5  }
0x10a: {  	v20 =	vor.u32 $0x20, v5;
	v9 =	vld.idx.msk [tilespmem:v28+s9+$0x0], $0xffff;
	[tilespmem:v62+s13+$0x0] =	vst.idx.msk $0xffff, v22;
	v22 =	vor.u32 $0x10, v15  }
0x10b: {  	v19 =	vor.u32 $0x20, v15;
	v13 =	vld.idx.msk [tilespmem:v14+s9+$0x0], $0xffff;
	[tilespmem:v63+s13+$0x0] =	vst.idx.msk $0xffff, v18;
	v18 =	vor.u32 $0x30, v5  }
0x10c: {  	s18 =	simm.s32 $0x4;
	v16 =	vor.u32 $0x30, v15;
	v14 =	vld.idx.msk [tilespmem:v17+s9+$0x0], $0xffff;
	v17 =	vor.u32 $0x40, v5;
	[tilespmem:v29+s13+$0x0] =	vst.idx.msk $0xffff, v61  }
.LBB2_16:
0x10d: {  	p0 =	slt.u32 s18, $0xC;
	v24 =	vor.u32 $0x40, v15;
	v23 =	vld.idx.msk [tilespmem:v23+s9+$0x0], $0xffff;
	[tilespmem:v5+s13+$0x0] =	vst.idx.msk $0xffff, v10;
	v10 =	vor.u32 $0x50, v5  }
0x10e: {  	v25 =	vadd.s32 s18, v0;
	v27 =	vor.u32 $0x50, v15;
	v26 =	vld.idx.msk [tilespmem:v15+s9+$0x0], $0xffff;
	[tilespmem:v21+s13+$0x0] =	vst.idx.msk $0xffff, v11;
	v11 =	vor.u32 $0x60, v5  }
0x10f: {  	v7 =	vor.u32 v4, v7;
	v5 =	vor.u32 $0x70, v5;
	v21 =	vld.idx.msk [tilespmem:v22+s9+$0x0], $0xffff;
	v22 =	vor.u32 $0x60, v15;
	[tilespmem:v20+s13+$0x0] =	vst.idx.msk $0xffff, v12  }
0x110: {  	v6 =	vor.u32 v6, v7;
	v12 =	vand.u32 $0x8, v25;
	v15 =	vor.u32 $0x70, v15;
	v19 =	vld.idx.msk [tilespmem:v19+s9+$0x0], $0xffff;
	[tilespmem:v18+s13+$0x0] =	vst.idx.msk $0xffff, v8  }
0x111: {  	v7 =	vor.u32 v3, v12;
	v8 =	vand.u32 $0x7, v25;
	v18 =	vor.u32 $0x10, v6;
	v16 =	vld.idx.msk [tilespmem:v16+s9+$0x0], $0xffff;
	[tilespmem:v17+s13+$0x0] =	vst.idx.msk $0xffff, v9  }
0x112: {  	v7 =	vor.u32 v8, v7;
	v17 =	vor.u32 $0x20, v6;
	v9 =	vld.idx.msk [tilespmem:v24+s9+$0x0], $0xffff;
	[tilespmem:v10+s13+$0x0] =	vst.idx.msk $0xffff, v13  }
0x113: {  	v20 =	vor.u32 $0x30, v6;
	v10 =	vor.u32 $0x10, v7;
	v13 =	vld.idx.msk [tilespmem:v27+s9+$0x0], $0xffff;
	[tilespmem:v11+s13+$0x0] =	vst.idx.msk $0xffff, v14  }
0x114: {  	v11 =	vor.u32 $0x20, v7;
	v14 =	vld.idx.msk [tilespmem:v22+s9+$0x0], $0xffff;
	v22 =	vor.u32 $0x40, v6;
	[tilespmem:v5+s13+$0x0] =	vst.idx.msk $0xffff, v23  }
0x115: {  	v5 =	vor.u32 $0x30, v7;
	v23 =	vor.u32 $0x50, v6;
	v15 =	vld.idx.msk [tilespmem:v15+s9+$0x0], $0xffff;
	[tilespmem:v6+s13+$0x0] =	vst.idx.msk $0xffff, v26  }
0x116: {  	s19 =	sadd.s32 $0x3, s18;
	v12 =	vor.u32 v4, v12;
	v24 =	vor.u32 $0x40, v7;
	[tilespmem:v18+s13+$0x0] =	vst.idx.msk $0xffff, v21;
	v18 =	vor.u32 $0x60, v6  }
0x117: {  	v25 =	vor.u32 $0x50, v7;
	v26 =	vadd.s32 s19, v0;
	v6 =	vor.u32 $0x70, v6;
	v21 =	vld.idx.msk [tilespmem:v7+s9+$0x0], $0xffff;
	[tilespmem:v17+s13+$0x0] =	vst.idx.msk $0xffff, v19  }
0x118: {  	v8 =	vor.u32 v8, v12;
	v12 =	vand.u32 $0x8, v26;
	v17 =	vor.u32 $0x60, v7;
	v10 =	vld.idx.msk [tilespmem:v10+s9+$0x0], $0xffff;
	[tilespmem:v20+s13+$0x0] =	vst.idx.msk $0xffff, v16  }
0x119: {  	v7 =	vor.u32 $0x70, v7;
	v19 =	vand.u32 $0x7, v26;
	v16 =	vor.u32 v3, v12;
	v11 =	vld.idx.msk [tilespmem:v11+s9+$0x0], $0xffff;
	[tilespmem:v22+s13+$0x0] =	vst.idx.msk $0xffff, v9  }
0x11a: {  	v9 =	vor.u32 $0x10, v8;
	v16 =	vor.u32 v19, v16;
	v5 =	vld.idx.msk [tilespmem:v5+s9+$0x0], $0xffff;
	[tilespmem:v23+s13+$0x0] =	vst.idx.msk $0xffff, v13  }
0x11b: {  	v20 =	vor.u32 $0x20, v8;
	v22 =	vor.u32 $0x10, v16;
	v13 =	vld.idx.msk [tilespmem:v24+s9+$0x0], $0xffff;
	[tilespmem:v18+s13+$0x0] =	vst.idx.msk $0xffff, v14  }
0x11c: {  	v23 =	vor.u32 $0x20, v16;
	v18 =	vor.u32 $0x30, v8;
	v14 =	vld.idx.msk [tilespmem:v25+s9+$0x0], $0xffff;
	[tilespmem:v6+s13+$0x0] =	vst.idx.msk $0xffff, v15  }
0x11d: {  	v24 =	vor.u32 $0x30, v16;
	v15 =	vor.u32 $0x40, v8;
	v6 =	vld.idx.msk [tilespmem:v17+s9+$0x0], $0xffff;
	v17 =	vor.u32 $0x50, v8  }
0x11e: {  	s19 =	sadd.s32 $0x2, s18;
	v25 =	vor.u32 $0x40, v16;
	v7 =	vld.idx.msk [tilespmem:v7+s9+$0x0], $0xffff;
	[tilespmem:v8+s13+$0x0] =	vst.idx.msk $0xffff, v21;
	v21 =	vor.u32 $0x60, v8;
	v8 =	vor.u32 $0x70, v8  }
0x11f: {  	v26 =	vor.u32 $0x50, v16;
	[tilespmem:v9+s13+$0x0] =	vst.idx.msk $0xffff, v10;
	v9 =	vadd.s32 s19, v0;
	v10 =	vor.u32 v4, v12;
	v12 =	vld.idx.msk [tilespmem:v16+s9+$0x0], $0xffff  }
0x120: {  	[tilespmem:v20+s13+$0x0] =	vst.idx.msk $0xffff, v11;
	v11 =	vand.u32 $0x8, v9;
	v20 =	vld.idx.msk [tilespmem:v22+s9+$0x0], $0xffff;
	v22 =	vor.u32 $0x60, v16;
	v10 =	vor.u32 v19, v10  }
0x121: {  	v9 =	vand.u32 $0x7, v9;
	v16 =	vor.u32 $0x70, v16;
	[tilespmem:v18+s13+$0x0] =	vst.idx.msk $0xffff, v5;
	v5 =	vor.u32 v3, v11;
	v18 =	vld.idx.msk [tilespmem:v23+s9+$0x0], $0xffff  }
0x122: {  	[tilespmem:v15+s13+$0x0] =	vst.idx.msk $0xffff, v13;
	v13 =	vor.u32 v9, v5;
	v15 =	vld.idx.msk [tilespmem:v24+s9+$0x0], $0xffff;
	v5 =	vor.u32 $0x10, v10  }
0x123: {  	v19 =	vor.u32 $0x20, v10;
	[tilespmem:v17+s13+$0x0] =	vst.idx.msk $0xffff, v14;
	v14 =	vor.u32 $0x10, v13;
	v17 =	vld.idx.msk [tilespmem:v25+s9+$0x0], $0xffff  }
0x124: {  	v25 =	vor.u32 $0x30, v10;
	[tilespmem:v21+s13+$0x0] =	vst.idx.msk $0xffff, v6;
	v21 =	vor.u32 $0x20, v13;
	v24 =	vld.idx.msk [tilespmem:v26+s9+$0x0], $0xffff  }
0x125: {  	v27 =	vor.u32 $0x50, v10;
	[tilespmem:v8+s13+$0x0] =	vst.idx.msk $0xffff, v7;
	v8 =	vor.u32 $0x30, v13;
	v26 =	vld.idx.msk [tilespmem:v22+s9+$0x0], $0xffff;
	v22 =	vor.u32 $0x40, v10  }
0x126: {  	s19 =	sadd.s32 $0x1, s18;
	v30 =	vor.u32 $0x70, v10;
	v28 =	vor.u32 $0x40, v13;
	v29 =	vld.idx.msk [tilespmem:v16+s9+$0x0], $0xffff;
	[tilespmem:v10+s13+$0x0] =	vst.idx.msk $0xffff, v12;
	v16 =	vor.u32 $0x60, v10  }
0x127: {  	v31 =	vor.u32 $0x50, v13;
	v6 =	vadd.s32 s19, v0;
	v12 =	vor.u32 v4, v11;
	v10 =	vld.idx.msk [tilespmem:v13+s9+$0x0], $0xffff;
	[tilespmem:v5+s13+$0x0] =	vst.idx.msk $0xffff, v20  }
0x128: {  	v7 =	vand.u32 $0x8, v6;
	v5 =	vor.u32 v9, v12;
	v11 =	vld.idx.msk [tilespmem:v14+s9+$0x0], $0xffff;
	v14 =	vor.u32 $0x60, v13;
	[tilespmem:v19+s13+$0x0] =	vst.idx.msk $0xffff, v18  }
.Ltmp9:
0x129: {  	v23 =	vor.u32 $0x70, v13;
	v6 =	vand.u32 $0x7, v6;
	v9 =	vor.u32 v3, v7;
	v12 =	vld.idx.msk [tilespmem:v21+s9+$0x0], $0xffff;
	[tilespmem:v25+s13+$0x0] =	vst.idx.msk $0xffff, v15;
	(pc) =	sbr.rel @p0 .LBB2_16-.Ltmp9, $4  }
0x12a: {  	v15 =	vor.u32 v6, v9;
	v21 =	vor.u32 $0x10, v5;
	v8 =	vld.idx.msk [tilespmem:v8+s9+$0x0], $0xffff;
	[tilespmem:v22+s13+$0x0] =	vst.idx.msk $0xffff, v17  }
0x12b: {  	v20 =	vor.u32 $0x20, v5;
	v22 =	vor.u32 $0x10, v15;
	v9 =	vld.idx.msk [tilespmem:v28+s9+$0x0], $0xffff;
	[tilespmem:v27+s13+$0x0] =	vst.idx.msk $0xffff, v24  }
0x12c: {  	v18 =	vor.u32 $0x30, v5;
	v19 =	vor.u32 $0x20, v15;
	v13 =	vld.idx.msk [tilespmem:v31+s9+$0x0], $0xffff;
	[tilespmem:v16+s13+$0x0] =	vst.idx.msk $0xffff, v26  }
0x12d: {  	s18 =	sadd.s32 $0x4, s18;
	v17 =	vor.u32 $0x40, v5;
	v16 =	vor.u32 $0x30, v15;
	v14 =	vld.idx.msk [tilespmem:v14+s9+$0x0], $0xffff;
	[tilespmem:v30+s13+$0x0] =	vst.idx.msk $0xffff, v29  }
0x12e: {  	_ =	sdelay $0x3  }
0x12f: {  	v3 =	vor.u32 $0x40, v15;
	v23 =	vld.idx.msk [tilespmem:v23+s9+$0x0], $0xffff  }
0x130: {  	[tilespmem:v5+s13+$0x0] =	vst.idx.msk $0xffff, v10;
	v47 =	vor.u32 $0x50, v5;
	v24 =	vld.idx.msk [tilespmem:v15+s9+$0x0], $0xffff;
	v25 =	vor.u32 $0x50, v15  }
0x131: {  	v48 =	vor.u32 $0x60, v5;
	v49 =	vld.idx.msk [tilespmem:v22+s9+$0x0], $0xffff;
	v50 =	vor.u32 $0x60, v15;
	v4 =	vor.u32 v4, v7;
	[tilespmem:v21+s13+$0x0] =	vst.idx.msk $0xffff, v11  }
0x132: {  	v52 =	vld.idx.msk [tilespmem:v19+s9+$0x0], $0xffff;
	v53 =	vor.u32 $0x70, v15;
	v4 =	vor.u32 v6, v4;
	[tilespmem:v20+s13+$0x0] =	vst.idx.msk $0xffff, v12  }
0x133: {  	v51 =	vor.u32 $0x70, v5;
	v54 =	vld.idx.msk [tilespmem:v16+s9+$0x0], $0xffff;
	[tilespmem:v18+s13+$0x0] =	vst.idx.msk $0xffff, v8  }
0x134: {  	v55 =	vor.u32 $0x10, v4;
	[tilespmem:v17+s13+$0x0] =	vst.idx.msk $0xffff, v9;
	v3 =	vld.idx.msk [tilespmem:v3+s9+$0x0], $0xffff  }
0x135: {  	v56 =	vor.u32 $0x20, v4;
	[tilespmem:v47+s13+$0x0] =	vst.idx.msk $0xffff, v13;
	v57 =	vld.idx.msk [tilespmem:v25+s9+$0x0], $0xffff  }
0x136: {  	v58 =	vor.u32 $0x30, v4;
	v59 =	vld.idx.msk [tilespmem:v50+s9+$0x0], $0xffff;
	[tilespmem:v48+s13+$0x0] =	vst.idx.msk $0xffff, v14  }
0x137: {  	v60 =	vor.u32 $0x40, v4;
	v61 =	vld.idx.msk [tilespmem:v53+s9+$0x0], $0xffff;
	[tilespmem:v4+s13+$0x0] =	vst.idx.msk $0xffff, v24  }
0x138: {  	v62 =	vor.u32 $0x50, v4;
	[tilespmem:v51+s13+$0x0] =	vst.idx.msk $0xffff, v23  }
0x139: {  	s17 =	sadd.s32 $0x1, s17;
	v63 =	vor.u32 $0x60, v4;
	[tilespmem:v55+s13+$0x0] =	vst.idx.msk $0xffff, v49  }
0x13a: {  	p0 =	sne.s32 s17, $0x4;
	v4 =	vor.u32 $0x70, v4;
	[tilespmem:v56+s13+$0x0] =	vst.idx.msk $0xffff, v52  }
.Ltmp10:
0x13b: {  	[tilespmem:v58+s13+$0x0] =	vst.idx.msk $0xffff, v54;
	(pc) =	sbr.rel @p0 .LBB2_15-.Ltmp10, $4  }
0x13c: {  	[tilespmem:v60+s13+$0x0] =	vst.idx.msk $0xffff, v3  }
0x13d: {  	[tilespmem:v62+s13+$0x0] =	vst.idx.msk $0xffff, v57  }
0x13e: {  	[tilespmem:v63+s13+$0x0] =	vst.idx.msk $0xffff, v59  }
0x13f: {  	[tilespmem:v4+s13+$0x0] =	vst.idx.msk $0xffff, v61  }
0x140: {  	[hbm4b:s7+s4] =	stream.linear.scatter [tilespmem:s13], [sflag:$0x1], $0x1A80, $0x38;
	[tilespmem:$0x13E40] =	vst v63  }
0x141: {  	s15 =	sadd.s32 $0x1, s15  }
0x142: {  	_ =	swait.ge [sflag:s12], $0x1A80;
	p0 =	sne.s32 s15, s8  }
.Ltmp11:
0x143: {  	[sflag:s12] =	ssyncset.done $0x0;
	(pc) =	sbr.rel @p0 .LBB2_1-.Ltmp11, $4  }
0x144: {  	[sflag:s12] =	ssyncadd.s32 $0xFFFFE580  }
0x145: {  	_ =	swait.ge [sflag:s14], $0x8000  }
0x146: {  	[sflag:s14] =	ssyncset.done $0x0  }
0x147: {  	[sflag:s14] =	ssyncadd.s32 $0xFFFF8000  }
0x148: {  	_ =	sfence.sel $0x180000  }
0x149: {  	[bflag:$0x0] =	sbarrier.arrive $0xFFFF  }
0x14a: {  	p0 =	sne.s32 s0, $0x0;
	_ =	strace $0x90000047  }
0x14b: {  	s0 =	sadd.s32 @!p0 $0x100000, s1;
	[bflag:$0x2] =	sbarrier.arrive $0xFFFF  }
0x14c: {  	[sflag:s0] =	ssyncadd.tile.s32 @!p0 $0x1;
	_ =	shalt  }
.Lfunc_end2:
_tile_overlayer_lowered:
.L_overlay_start_2:
0x14d: {  	(tag) =	ssettag $0x2  }
0x14e: {  	s0 =	rddreg [dreg:$0x0];
	s2 =	stileid.u32  }
0x14f: {  	s1 =	rddreg [dreg:$0x1];
	p0 =	sne.s32 s2, $0x0  }
0x150: {  	s3 =	rddreg [dreg:$0x2];
	[bflag:$0x3] =	sbarrier.arrive $0xFFFF;
	s2 =	simm.s32 @!p0 $0x1C03  }
0x151: {  	[timem:s3], [sflag:s2] =	dma.local @!p0 [hbm:s0], s1  }
0x152: {  	s0 =	simm.s32 @!p0 $0x3  }
0x153: {  	_ =	swait.ge @!p0 [sflag:s0], s1  }
0x154: {  	s1 =	ssub.s32 @!p0 $0x0, s1;
	[sflag:s0] =	ssyncset.done @!p0 $0x0  }
0x155: {  	[sflag:s0] =	ssyncadd.s32 @!p0 s1  }
0x156: {  	[bflag:$0x3] =	sbarrier.arrive $0xFFFF  }
0x157: {  	_ =	shalt  }

</sc_bundles>
